<compile_context>
chip_gen: v7x
topology: tpu7x:2x2x1
jax: 0.10.2.dev20260603
libtpu: 0.0.44.dev20260713+nightly
codegen_flags: <defaults>
</compile_context>

<pallas_src>
import functools

import jax
import jax.numpy as jnp
from jax import lax
from jax.experimental import pallas as pl
from jax.experimental.pallas import tpu as pltpu
from jax.experimental.pallas import tpu_sc as plsc

EMB = 64
SUB = 128
NBUF = 5
SKILL_PAD = 1024
N_CORR = 4


@functools.lru_cache(maxsize=None)
def _build(n_rows: int):
    info = plsc.get_sparse_core_info()
    nw = info.num_cores * info.num_subcores
    per_w = n_rows // nw
    blk_rows = NBUF * SUB
    n_blk = per_w // blk_rows
    assert per_w * nw == n_rows and n_blk * blk_rows == per_w

    mesh = plsc.VectorSubcoreMesh(core_axis_name="c", subcore_axis_name="s")

    @functools.partial(
        pl.kernel,
        mesh=mesh,
        compiler_params=pltpu.CompilerParams(use_tc_tiling_on_sc=False, needs_layout_passes=False),
        out_type=jax.ShapeDtypeStruct((n_rows, EMB), jnp.float32),
        scratch_types=[
            pltpu.VMEM((2, blk_rows), jnp.int32),
            pltpu.VMEM((2, blk_rows), jnp.int32),
            pltpu.VMEM((NBUF, SUB, EMB), jnp.float32),
            pltpu.VMEM((EMB, SKILL_PAD + 1), jnp.float32),
            pltpu.VMEM((EMB, N_CORR + 1), jnp.float32),
            [pltpu.SemaphoreType.DMA] * NBUF,
            [pltpu.SemaphoreType.DMA] * NBUF,
            pltpu.SemaphoreType.DMA,
        ],
    )
    def sc_kernel(qt, st, ct, qi, sci, out, qiv, sciv, qb, skv, cov,
                  gsem, wsem, isem):
        wid = lax.axis_index("s") * info.num_cores + lax.axis_index("c")
        base = wid * per_w

        pltpu.sync_copy(st, skv)
        pltpu.sync_copy(ct, cov)

        def fire_idx(blk, par):
            off = base + blk * blk_rows
            pltpu.async_copy(qi.at[pl.ds(off, blk_rows)], qiv.at[par], isem)
            pltpu.async_copy(sci.at[pl.ds(off, blk_rows)], sciv.at[par], isem)

        def wait_idx():
            for ref in (qiv, sciv):
                pltpu.make_async_copy(qi.at[pl.ds(0, blk_rows)],
                                      ref.at[0], isem).wait()

        def fire_gathers(b, par):
            sl = pl.ds(b * SUB, SUB)
            pltpu.async_copy(qt.at[qiv.at[par, sl]], qb.at[b], gsem[b])

        def wait_gathers(b):
            pltpu.make_async_copy(qt.at[qiv.at[0, pl.ds(0, SUB)]],
                                  qb.at[b], gsem[b]).wait()

        fire_idx(0, 0)
        wait_idx()
        if n_blk > 1:
            fire_idx(1, 1)
        for b in range(NBUF):
            fire_gathers(b, 0)

        lanes = lax.iota(jnp.int32, 16)

        def blk_body(blk, carry):
            par = lax.rem(blk, 2)
            for b in range(NBUF):
                wait_gathers(b)
                bb = jnp.full((16,), b, jnp.int32)

                def grp_body(gi, c1):
                    r0 = pl.multiple_of(gi * 16, 16)
                    scv = sciv[par, pl.ds(b * SUB + r0, 16)]
                    s_idx = lax.shift_right_logical(scv, 2)
                    c_idx = lax.bitwise_and(scv, 3)
                    rows = r0 + lanes

                    @plsc.parallel_loop(0, EMB, unroll=8)
                    def col_body(c):
                        cc = lax.bitwise_and(lanes + c, EMB - 1)
                        sk = plsc.load_gather(skv, [cc, s_idx])
                        co = plsc.load_gather(cov, [cc, c_idx])
                        plsc.addupdate_scatter(qb, [bb, rows, cc], sk + co)

                    return c1

                lax.fori_loop(0, SUB // 16, grp_body, 0)
                off = base + blk * blk_rows + b * SUB
                pltpu.async_copy(qb.at[b], out.at[pl.ds(off, SUB)], wsem[b])

            @pl.when(blk < n_blk - 1)
            def _():
                wait_idx()

                @pl.when(blk < n_blk - 2)
                def _():
                    fire_idx(blk + 2, par)

                for b in range(NBUF):
                    pltpu.make_async_copy(
                        qb.at[b], out.at[pl.ds(0, SUB)], wsem[b]).wait()
                    fire_gathers(b, 1 - par)
            return carry

        lax.fori_loop(0, n_blk, blk_body, 0)
        for b in range(NBUF):
            pltpu.make_async_copy(qb.at[b], out.at[pl.ds(0, SUB)],
                                  wsem[b]).wait()

    return sc_kernel


def kernel(qid_table, skill_table, correct_table, qid, skill, is_correct):
    b, l = qid.shape
    n = b * l
    fn = _build(n)
    skill_p = (jnp.zeros((SKILL_PAD, EMB), jnp.float32)
               .at[:skill_table.shape[0]].set(skill_table))
    sc_idx = skill.astype(jnp.int32) * N_CORR + is_correct.astype(jnp.int32)
    skill_t = (jnp.zeros((EMB, SKILL_PAD + 1), jnp.float32)
               .at[:, :SKILL_PAD].set(skill_p.T))
    correct_t = (jnp.zeros((EMB, N_CORR + 1), jnp.float32)
                 .at[:, :N_CORR].set(correct_table.T))
    out = fn(
        qid_table,
        skill_t,
        correct_t,
        qid.reshape(n).astype(jnp.int32),
        sc_idx.reshape(n),
    )
    return out.reshape(b, l, EMB)

# --- scband reference (transcript-rebuilt; emitter-appended) ---
"""Pipeline reference for scband-interaction-embedding-26353919328853 (READ-ONLY COPY).

The authoritative reference and input builder live on the scoring server;
editing this copy changes nothing except your own understanding.
"""

import jax, jax.numpy as jnp
import numpy as np

NUM_ITEM = 1000000
NUM_SKILL = 1000
EMB = 64
B = 4096
L = 200


def setup_inputs(seed: int = 0) -> dict:
    key = jax.random.key(seed)
    k1, k2, k3, k4, k5, k6 = jax.random.split(key, 6)
    qid = jax.random.randint(k1, (B, L), 0, NUM_ITEM + 2)
    skill = jax.random.randint(k2, (B, L), 0, NUM_SKILL + 2)
    is_correct = jax.random.randint(k3, (B, L), 0, 4)
    qid_table = jax.random.normal(k4, (NUM_ITEM + 2, EMB), dtype=jnp.float32) * 0.02
    skill_table = jax.random.normal(k5, (NUM_SKILL + 2, EMB), dtype=jnp.float32) * 0.02
    correct_table = jax.random.normal(k6, (4, EMB), dtype=jnp.float32) * 0.02
    # padding_idx=0 -> row 0 is zeros, as in nn.Embedding(padding_idx=0)
    qid_table = qid_table.at[0].set(0.0)
    skill_table = skill_table.at[0].set(0.0)
    correct_table = correct_table.at[0].set(0.0)
    return {
        "qid_table": qid_table,
        "skill_table": skill_table,
        "correct_table": correct_table,
        "qid": qid,
        "skill": skill,
        "is_correct": is_correct,
    }


def reference(qid_table, skill_table, correct_table, qid, skill, is_correct):
    # output = 0.0; for each field: output += embed(token_dict[key])
    out = jnp.take(qid_table, qid, axis=0)
    out = out + jnp.take(skill_table, skill, axis=0)
    out = out + jnp.take(correct_table, is_correct, axis=0)
    return out

if __name__ == "__main__":
    import jax
    _d = setup_inputs()
    print(jax.jit(kernel)(*tuple(_d.values())))

</pallas_src>

<mosaic_0001>
#map = affine_map<(d0, d1) -> (0, 0)>
#map1 = affine_map<(d0, d1) -> (0)>
module attributes {stable_mosaic.version = 14 : i64} {
  func.func @sc_kernel(%arg0: i32, %arg1: i32, %arg2: memref<1000002x64xf32, #tpu.memory_space<hbm>>, %arg3: memref<64x1025xf32, #tpu.memory_space<hbm>>, %arg4: memref<64x5xf32, #tpu.memory_space<hbm>>, %arg5: memref<819200xi32, #tpu.memory_space<hbm>>, %arg6: memref<819200xi32, #tpu.memory_space<hbm>>, %arg7: memref<819200x64xf32, #tpu.memory_space<hbm>>, %arg8: memref<2x640xi32, #tpu.memory_space<vmem>>, %arg9: memref<2x640xi32, #tpu.memory_space<vmem>>, %arg10: memref<5x128x64xf32, #tpu.memory_space<vmem>>, %arg11: memref<64x1025xf32, #tpu.memory_space<vmem>>, %arg12: memref<64x5xf32, #tpu.memory_space<vmem>>, %arg13: memref<!tpu.dma_semaphore, #tpu.memory_space<semaphore_mem>>, %arg14: memref<!tpu.dma_semaphore, #tpu.memory_space<semaphore_mem>>, %arg15: memref<!tpu.dma_semaphore, #tpu.memory_space<semaphore_mem>>, %arg16: memref<!tpu.dma_semaphore, #tpu.memory_space<semaphore_mem>>, %arg17: memref<!tpu.dma_semaphore, #tpu.memory_space<semaphore_mem>>, %arg18: memref<!tpu.dma_semaphore, #tpu.memory_space<semaphore_mem>>, %arg19: memref<!tpu.dma_semaphore, #tpu.memory_space<semaphore_mem>>, %arg20: memref<!tpu.dma_semaphore, #tpu.memory_space<semaphore_mem>>, %arg21: memref<!tpu.dma_semaphore, #tpu.memory_space<semaphore_mem>>, %arg22: memref<!tpu.dma_semaphore, #tpu.memory_space<semaphore_mem>>, %arg23: memref<!tpu.dma_semaphore, #tpu.memory_space<semaphore_mem>>) attributes {dimension_semantics = [#tpu.dimension_semantics<core_parallel>, #tpu.dimension_semantics<subcore_parallel>], iteration_bounds = array<i64: 2, 16>, scalar_prefetch = 0 : i64, scratch_operands = 16 : i64, tpu.core_type = #tpu.core_type<sc_vector_subcore>, window_params = [{transform_indices = #map}, {transform_indices = #map}, {transform_indices = #map}, {transform_indices = #map1}, {transform_indices = #map1}, {transform_indices = #map}]} {
    %mul3A = arith.constant 2 : i32
    %mul3A_0 = arith.muli %arg1, %mul3A : i32
    %add3A = arith.addi %mul3A_0, %arg0 : i32
    %mul3A_1 = arith.constant 25600 : i32
    %mul3A_2 = arith.muli %add3A, %mul3A_1 : i32
    "tpu.region"() ({
      %run_scoped3A = tpu.sem_alloc : memref<!tpu.dma_semaphore, #tpu.memory_space<semaphore_mem>>
      tpu.enqueue_dma source(%arg3 : memref<64x1025xf32, #tpu.memory_space<hbm>>) target(%arg11 : memref<64x1025xf32, #tpu.memory_space<vmem>>) target_semaphore(%run_scoped3A : memref<!tpu.dma_semaphore, #tpu.memory_space<semaphore_mem>>)
      tpu.wait_dma2 semaphore(%run_scoped3A : memref<!tpu.dma_semaphore, #tpu.memory_space<semaphore_mem>>) src(%arg3 : memref<64x1025xf32, #tpu.memory_space<hbm>>) dst(%arg11 : memref<64x1025xf32, #tpu.memory_space<vmem>>)
      tpu.yield
    }) : () -> ()
    "tpu.region"() ({
      %run_scoped3A = tpu.sem_alloc : memref<!tpu.dma_semaphore, #tpu.memory_space<semaphore_mem>>
      tpu.enqueue_dma source(%arg4 : memref<64x5xf32, #tpu.memory_space<hbm>>) target(%arg12 : memref<64x5xf32, #tpu.memory_space<vmem>>) target_semaphore(%run_scoped3A : memref<!tpu.dma_semaphore, #tpu.memory_space<semaphore_mem>>)
      tpu.wait_dma2 semaphore(%run_scoped3A : memref<!tpu.dma_semaphore, #tpu.memory_space<semaphore_mem>>) src(%arg4 : memref<64x5xf32, #tpu.memory_space<hbm>>) dst(%arg12 : memref<64x5xf32, #tpu.memory_space<vmem>>)
      tpu.yield
    }) : () -> ()
    %add3A_3 = arith.constant 0 : i32
    %add3A_4 = arith.addi %mul3A_2, %add3A_3 : i32
    %dma_start3A = arith.constant 0 : i32
    %dma_start3A_5 = arith.constant 0 : i32
    %dma_start3A_6 = tpu.memref_slice %arg8[%dma_start3A, %dma_start3A_5] : memref<2x640xi32, #tpu.memory_space<vmem>> -> memref<1x640xi32, #tpu.memory_space<vmem>>
    %dma_start3A_7 = tpu.memref_squeeze %dma_start3A_6 : memref<1x640xi32, #tpu.memory_space<vmem>> -> memref<640xi32, #tpu.memory_space<vmem>>
    %dma_start3A_8 = tpu.memref_slice %arg5[%add3A_4] : memref<819200xi32, #tpu.memory_space<hbm>> -> memref<640xi32, #tpu.memory_space<hbm>>
    %dma_start3A_9 = arith.constant 0 : i32
    %dma_start3A_10 = tpu.memref_slice %arg8[%dma_start3A, %dma_start3A_9] : memref<2x640xi32, #tpu.memory_space<vmem>> -> memref<1x640xi32, #tpu.memory_space<vmem>>
    %dma_start3A_11 = tpu.memref_squeeze %dma_start3A_10 : memref<1x640xi32, #tpu.memory_space<vmem>> -> memref<640xi32, #tpu.memory_space<vmem>>
    %dma_start3A_12 = tpu.memref_slice %arg5[%add3A_4] : memref<819200xi32, #tpu.memory_space<hbm>> -> memref<640xi32, #tpu.memory_space<hbm>>
    tpu.enqueue_dma source(%dma_start3A_12 : memref<640xi32, #tpu.memory_space<hbm>>) target(%dma_start3A_11 : memref<640xi32, #tpu.memory_space<vmem>>) target_semaphore(%arg23 : memref<!tpu.dma_semaphore, #tpu.memory_space<semaphore_mem>>)
    %dma_start3A_13 = arith.constant 0 : i32
    %dma_start3A_14 = arith.constant 0 : i32
    %dma_start3A_15 = tpu.memref_slice %arg9[%dma_start3A_13, %dma_start3A_14] : memref<2x640xi32, #tpu.memory_space<vmem>> -> memref<1x640xi32, #tpu.memory_space<vmem>>
    %dma_start3A_16 = tpu.memref_squeeze %dma_start3A_15 : memref<1x640xi32, #tpu.memory_space<vmem>> -> memref<640xi32, #tpu.memory_space<vmem>>
    %dma_start3A_17 = tpu.memref_slice %arg6[%add3A_4] : memref<819200xi32, #tpu.memory_space<hbm>> -> memref<640xi32, #tpu.memory_space<hbm>>
    %dma_start3A_18 = arith.constant 0 : i32
    %dma_start3A_19 = tpu.memref_slice %arg9[%dma_start3A_13, %dma_start3A_18] : memref<2x640xi32, #tpu.memory_space<vmem>> -> memref<1x640xi32, #tpu.memory_space<vmem>>
    %dma_start3A_20 = tpu.memref_squeeze %dma_start3A_19 : memref<1x640xi32, #tpu.memory_space<vmem>> -> memref<640xi32, #tpu.memory_space<vmem>>
    %dma_start3A_21 = tpu.memref_slice %arg6[%add3A_4] : memref<819200xi32, #tpu.memory_space<hbm>> -> memref<640xi32, #tpu.memory_space<hbm>>
    tpu.enqueue_dma source(%dma_start3A_21 : memref<640xi32, #tpu.memory_space<hbm>>) target(%dma_start3A_20 : memref<640xi32, #tpu.memory_space<vmem>>) target_semaphore(%arg23 : memref<!tpu.dma_semaphore, #tpu.memory_space<semaphore_mem>>)
    %dma_wait3A = arith.constant 0 : i32
    %dma_wait3A_22 = arith.constant 0 : i32
    %dma_wait3A_23 = tpu.memref_slice %arg8[%dma_wait3A, %dma_wait3A_22] : memref<2x640xi32, #tpu.memory_space<vmem>> -> memref<1x640xi32, #tpu.memory_space<vmem>>
    %dma_wait3A_24 = tpu.memref_squeeze %dma_wait3A_23 : memref<1x640xi32, #tpu.memory_space<vmem>> -> memref<640xi32, #tpu.memory_space<vmem>>
    %dma_wait3A_25 = arith.constant 0 : i32
    %dma_wait3A_26 = tpu.memref_slice %arg5[%dma_wait3A_25] : memref<819200xi32, #tpu.memory_space<hbm>> -> memref<640xi32, #tpu.memory_space<hbm>>
    %dma_wait3A_27 = arith.constant 0 : i32
    %dma_wait3A_28 = tpu.memref_slice %arg8[%dma_wait3A, %dma_wait3A_27] : memref<2x640xi32, #tpu.memory_space<vmem>> -> memref<1x640xi32, #tpu.memory_space<vmem>>
    %dma_wait3A_29 = tpu.memref_squeeze %dma_wait3A_28 : memref<1x640xi32, #tpu.memory_space<vmem>> -> memref<640xi32, #tpu.memory_space<vmem>>
    %dma_wait3A_30 = arith.constant 0 : i32
    %dma_wait3A_31 = tpu.memref_slice %arg5[%dma_wait3A_30] : memref<819200xi32, #tpu.memory_space<hbm>> -> memref<640xi32, #tpu.memory_space<hbm>>
    tpu.wait_dma2 semaphore(%arg23 : memref<!tpu.dma_semaphore, #tpu.memory_space<semaphore_mem>>) src(%dma_wait3A_31 : memref<640xi32, #tpu.memory_space<hbm>>) dst(%dma_wait3A_29 : memref<640xi32, #tpu.memory_space<vmem>>)
    %dma_wait3A_32 = arith.constant 0 : i32
    %dma_wait3A_33 = arith.constant 0 : i32
    %dma_wait3A_34 = tpu.memref_slice %arg9[%dma_wait3A_32, %dma_wait3A_33] : memref<2x640xi32, #tpu.memory_space<vmem>> -> memref<1x640xi32, #tpu.memory_space<vmem>>
    %dma_wait3A_35 = tpu.memref_squeeze %dma_wait3A_34 : memref<1x640xi32, #tpu.memory_space<vmem>> -> memref<640xi32, #tpu.memory_space<vmem>>
    %dma_wait3A_36 = arith.constant 0 : i32
    %dma_wait3A_37 = tpu.memref_slice %arg5[%dma_wait3A_36] : memref<819200xi32, #tpu.memory_space<hbm>> -> memref<640xi32, #tpu.memory_space<hbm>>
    %dma_wait3A_38 = arith.constant 0 : i32
    %dma_wait3A_39 = tpu.memref_slice %arg9[%dma_wait3A_32, %dma_wait3A_38] : memref<2x640xi32, #tpu.memory_space<vmem>> -> memref<1x640xi32, #tpu.memory_space<vmem>>
    %dma_wait3A_40 = tpu.memref_squeeze %dma_wait3A_39 : memref<1x640xi32, #tpu.memory_space<vmem>> -> memref<640xi32, #tpu.memory_space<vmem>>
    %dma_wait3A_41 = arith.constant 0 : i32
    %dma_wait3A_42 = tpu.memref_slice %arg5[%dma_wait3A_41] : memref<819200xi32, #tpu.memory_space<hbm>> -> memref<640xi32, #tpu.memory_space<hbm>>
    tpu.wait_dma2 semaphore(%arg23 : memref<!tpu.dma_semaphore, #tpu.memory_space<semaphore_mem>>) src(%dma_wait3A_42 : memref<640xi32, #tpu.memory_space<hbm>>) dst(%dma_wait3A_40 : memref<640xi32, #tpu.memory_space<vmem>>)
    %add3A_43 = arith.constant 640 : i32
    %add3A_44 = arith.addi %mul3A_2, %add3A_43 : i32
    %dma_start3A_45 = arith.constant 1 : i32
    %dma_start3A_46 = arith.constant 0 : i32
    %dma_start3A_47 = tpu.memref_slice %arg8[%dma_start3A_45, %dma_start3A_46] : memref<2x640xi32, #tpu.memory_space<vmem>> -> memref<1x640xi32, #tpu.memory_space<vmem>>
    %dma_start3A_48 = tpu.memref_squeeze %dma_start3A_47 : memref<1x640xi32, #tpu.memory_space<vmem>> -> memref<640xi32, #tpu.memory_space<vmem>>
    %dma_start3A_49 = tpu.memref_slice %arg5[%add3A_44] : memref<819200xi32, #tpu.memory_space<hbm>> -> memref<640xi32, #tpu.memory_space<hbm>>
    %dma_start3A_50 = arith.constant 0 : i32
    %dma_start3A_51 = tpu.memref_slice %arg8[%dma_start3A_45, %dma_start3A_50] : memref<2x640xi32, #tpu.memory_space<vmem>> -> memref<1x640xi32, #tpu.memory_space<vmem>>
    %dma_start3A_52 = tpu.memref_squeeze %dma_start3A_51 : memref<1x640xi32, #tpu.memory_space<vmem>> -> memref<640xi32, #tpu.memory_space<vmem>>
    %dma_start3A_53 = tpu.memref_slice %arg5[%add3A_44] : memref<819200xi32, #tpu.memory_space<hbm>> -> memref<640xi32, #tpu.memory_space<hbm>>
    tpu.enqueue_dma source(%dma_start3A_53 : memref<640xi32, #tpu.memory_space<hbm>>) target(%dma_start3A_52 : memref<640xi32, #tpu.memory_space<vmem>>) target_semaphore(%arg23 : memref<!tpu.dma_semaphore, #tpu.memory_space<semaphore_mem>>)
    %dma_start3A_54 = arith.constant 1 : i32
    %dma_start3A_55 = arith.constant 0 : i32
    %dma_start3A_56 = tpu.memref_slice %arg9[%dma_start3A_54, %dma_start3A_55] : memref<2x640xi32, #tpu.memory_space<vmem>> -> memref<1x640xi32, #tpu.memory_space<vmem>>
    %dma_start3A_57 = tpu.memref_squeeze %dma_start3A_56 : memref<1x640xi32, #tpu.memory_space<vmem>> -> memref<640xi32, #tpu.memory_space<vmem>>
    %dma_start3A_58 = tpu.memref_slice %arg6[%add3A_44] : memref<819200xi32, #tpu.memory_space<hbm>> -> memref<640xi32, #tpu.memory_space<hbm>>
    %dma_start3A_59 = arith.constant 0 : i32
    %dma_start3A_60 = tpu.memref_slice %arg9[%dma_start3A_54, %dma_start3A_59] : memref<2x640xi32, #tpu.memory_space<vmem>> -> memref<1x640xi32, #tpu.memory_space<vmem>>
    %dma_start3A_61 = tpu.memref_squeeze %dma_start3A_60 : memref<1x640xi32, #tpu.memory_space<vmem>> -> memref<640xi32, #tpu.memory_space<vmem>>
    %dma_start3A_62 = tpu.memref_slice %arg6[%add3A_44] : memref<819200xi32, #tpu.memory_space<hbm>> -> memref<640xi32, #tpu.memory_space<hbm>>
    tpu.enqueue_dma source(%dma_start3A_62 : memref<640xi32, #tpu.memory_space<hbm>>) target(%dma_start3A_61 : memref<640xi32, #tpu.memory_space<vmem>>) target_semaphore(%arg23 : memref<!tpu.dma_semaphore, #tpu.memory_space<semaphore_mem>>)
    %dma_start3A_63 = arith.constant 0 : i32
    %dma_start3A_64 = arith.constant 0 : i32
    %dma_start3A_65 = arith.constant 0 : i32
    %dma_start3A_66 = arith.constant 0 : i32
    %dma_start3A_67 = tpu.memref_slice %arg10[%dma_start3A_64, %dma_start3A_65, %dma_start3A_66] : memref<5x128x64xf32, #tpu.memory_space<vmem>> -> memref<1x128x64xf32, #tpu.memory_space<vmem>>
    %dma_start3A_68 = tpu.memref_squeeze %dma_start3A_67 : memref<1x128x64xf32, #tpu.memory_space<vmem>> -> memref<128x64xf32, #tpu.memory_space<vmem>>
    %dma_start3A_69 = arith.constant 0 : i32
    %dma_start3A_70 = tpu.memref_slice %arg8[%dma_start3A_63, %dma_start3A_69] : memref<2x640xi32, #tpu.memory_space<vmem>> -> memref<1x128xi32, #tpu.memory_space<vmem>>
    %dma_start3A_71 = tpu.memref_squeeze %dma_start3A_70 : memref<1x128xi32, #tpu.memory_space<vmem>> -> memref<128xi32, #tpu.memory_space<vmem>>
    %dma_start3A_72 = arith.constant 0 : i32
    %dma_start3A_73 = arith.constant 0 : i32
    %dma_start3A_74 = tpu.memref_slice %arg2[%dma_start3A_72, %dma_start3A_73] : memref<1000002x64xf32, #tpu.memory_space<hbm>> -> memref<1000002x64xf32, #tpu.memory_space<hbm>>
    tpu.enqueue_indirect_dma source(%dma_start3A_74 : memref<1000002x64xf32, #tpu.memory_space<hbm>>) target(%dma_start3A_68 : memref<128x64xf32, #tpu.memory_space<vmem>>) offsets(%dma_start3A_71 : memref<128xi32, #tpu.memory_space<vmem>>) semaphore(%arg13 : memref<!tpu.dma_semaphore, #tpu.memory_space<semaphore_mem>>)
    %dma_start3A_75 = arith.constant 0 : i32
    %dma_start3A_76 = arith.constant 1 : i32
    %dma_start3A_77 = arith.constant 0 : i32
    %dma_start3A_78 = arith.constant 0 : i32
    %dma_start3A_79 = tpu.memref_slice %arg10[%dma_start3A_76, %dma_start3A_77, %dma_start3A_78] : memref<5x128x64xf32, #tpu.memory_space<vmem>> -> memref<1x128x64xf32, #tpu.memory_space<vmem>>
    %dma_start3A_80 = tpu.memref_squeeze %dma_start3A_79 : memref<1x128x64xf32, #tpu.memory_space<vmem>> -> memref<128x64xf32, #tpu.memory_space<vmem>>
    %dma_start3A_81 = arith.constant 128 : i32
    %dma_start3A_82 = tpu.memref_slice %arg8[%dma_start3A_75, %dma_start3A_81] : memref<2x640xi32, #tpu.memory_space<vmem>> -> memref<1x128xi32, #tpu.memory_space<vmem>>
    %dma_start3A_83 = tpu.memref_squeeze %dma_start3A_82 : memref<1x128xi32, #tpu.memory_space<vmem>> -> memref<128xi32, #tpu.memory_space<vmem>>
    %dma_start3A_84 = arith.constant 0 : i32
    %dma_start3A_85 = arith.constant 0 : i32
    %dma_start3A_86 = tpu.memref_slice %arg2[%dma_start3A_84, %dma_start3A_85] : memref<1000002x64xf32, #tpu.memory_space<hbm>> -> memref<1000002x64xf32, #tpu.memory_space<hbm>>
    tpu.enqueue_indirect_dma source(%dma_start3A_86 : memref<1000002x64xf32, #tpu.memory_space<hbm>>) target(%dma_start3A_80 : memref<128x64xf32, #tpu.memory_space<vmem>>) offsets(%dma_start3A_83 : memref<128xi32, #tpu.memory_space<vmem>>) semaphore(%arg14 : memref<!tpu.dma_semaphore, #tpu.memory_space<semaphore_mem>>)
    %dma_start3A_87 = arith.constant 0 : i32
    %dma_start3A_88 = arith.constant 2 : i32
    %dma_start3A_89 = arith.constant 0 : i32
    %dma_start3A_90 = arith.constant 0 : i32
    %dma_start3A_91 = tpu.memref_slice %arg10[%dma_start3A_88, %dma_start3A_89, %dma_start3A_90] : memref<5x128x64xf32, #tpu.memory_space<vmem>> -> memref<1x128x64xf32, #tpu.memory_space<vmem>>
    %dma_start3A_92 = tpu.memref_squeeze %dma_start3A_91 : memref<1x128x64xf32, #tpu.memory_space<vmem>> -> memref<128x64xf32, #tpu.memory_space<vmem>>
    %dma_start3A_93 = arith.constant 256 : i32
    %dma_start3A_94 = tpu.memref_slice %arg8[%dma_start3A_87, %dma_start3A_93] : memref<2x640xi32, #tpu.memory_space<vmem>> -> memref<1x128xi32, #tpu.memory_space<vmem>>
    %dma_start3A_95 = tpu.memref_squeeze %dma_start3A_94 : memref<1x128xi32, #tpu.memory_space<vmem>> -> memref<128xi32, #tpu.memory_space<vmem>>
    %dma_start3A_96 = arith.constant 0 : i32
    %dma_start3A_97 = arith.constant 0 : i32
    %dma_start3A_98 = tpu.memref_slice %arg2[%dma_start3A_96, %dma_start3A_97] : memref<1000002x64xf32, #tpu.memory_space<hbm>> -> memref<1000002x64xf32, #tpu.memory_space<hbm>>
    tpu.enqueue_indirect_dma source(%dma_start3A_98 : memref<1000002x64xf32, #tpu.memory_space<hbm>>) target(%dma_start3A_92 : memref<128x64xf32, #tpu.memory_space<vmem>>) offsets(%dma_start3A_95 : memref<128xi32, #tpu.memory_space<vmem>>) semaphore(%arg15 : memref<!tpu.dma_semaphore, #tpu.memory_space<semaphore_mem>>)
    %dma_start3A_99 = arith.constant 0 : i32
    %dma_start3A_100 = arith.constant 3 : i32
    %dma_start3A_101 = arith.constant 0 : i32
    %dma_start3A_102 = arith.constant 0 : i32
    %dma_start3A_103 = tpu.memref_slice %arg10[%dma_start3A_100, %dma_start3A_101, %dma_start3A_102] : memref<5x128x64xf32, #tpu.memory_space<vmem>> -> memref<1x128x64xf32, #tpu.memory_space<vmem>>
    %dma_start3A_104 = tpu.memref_squeeze %dma_start3A_103 : memref<1x128x64xf32, #tpu.memory_space<vmem>> -> memref<128x64xf32, #tpu.memory_space<vmem>>
    %dma_start3A_105 = arith.constant 384 : i32
    %dma_start3A_106 = tpu.memref_slice %arg8[%dma_start3A_99, %dma_start3A_105] : memref<2x640xi32, #tpu.memory_space<vmem>> -> memref<1x128xi32, #tpu.memory_space<vmem>>
    %dma_start3A_107 = tpu.memref_squeeze %dma_start3A_106 : memref<1x128xi32, #tpu.memory_space<vmem>> -> memref<128xi32, #tpu.memory_space<vmem>>
    %dma_start3A_108 = arith.constant 0 : i32
    %dma_start3A_109 = arith.constant 0 : i32
    %dma_start3A_110 = tpu.memref_slice %arg2[%dma_start3A_108, %dma_start3A_109] : memref<1000002x64xf32, #tpu.memory_space<hbm>> -> memref<1000002x64xf32, #tpu.memory_space<hbm>>
    tpu.enqueue_indirect_dma source(%dma_start3A_110 : memref<1000002x64xf32, #tpu.memory_space<hbm>>) target(%dma_start3A_104 : memref<128x64xf32, #tpu.memory_space<vmem>>) offsets(%dma_start3A_107 : memref<128xi32, #tpu.memory_space<vmem>>) semaphore(%arg16 : memref<!tpu.dma_semaphore, #tpu.memory_space<semaphore_mem>>)
    %dma_start3A_111 = arith.constant 0 : i32
    %dma_start3A_112 = arith.constant 4 : i32
    %dma_start3A_113 = arith.constant 0 : i32
    %dma_start3A_114 = arith.constant 0 : i32
    %dma_start3A_115 = tpu.memref_slice %arg10[%dma_start3A_112, %dma_start3A_113, %dma_start3A_114] : memref<5x128x64xf32, #tpu.memory_space<vmem>> -> memref<1x128x64xf32, #tpu.memory_space<vmem>>
    %dma_start3A_116 = tpu.memref_squeeze %dma_start3A_115 : memref<1x128x64xf32, #tpu.memory_space<vmem>> -> memref<128x64xf32, #tpu.memory_space<vmem>>
    %dma_start3A_117 = arith.constant 512 : i32
    %dma_start3A_118 = tpu.memref_slice %arg8[%dma_start3A_111, %dma_start3A_117] : memref<2x640xi32, #tpu.memory_space<vmem>> -> memref<1x128xi32, #tpu.memory_space<vmem>>
    %dma_start3A_119 = tpu.memref_squeeze %dma_start3A_118 : memref<1x128xi32, #tpu.memory_space<vmem>> -> memref<128xi32, #tpu.memory_space<vmem>>
    %dma_start3A_120 = arith.constant 0 : i32
    %dma_start3A_121 = arith.constant 0 : i32
    %dma_start3A_122 = tpu.memref_slice %arg2[%dma_start3A_120, %dma_start3A_121] : memref<1000002x64xf32, #tpu.memory_space<hbm>> -> memref<1000002x64xf32, #tpu.memory_space<hbm>>
    tpu.enqueue_indirect_dma source(%dma_start3A_122 : memref<1000002x64xf32, #tpu.memory_space<hbm>>) target(%dma_start3A_116 : memref<128x64xf32, #tpu.memory_space<vmem>>) offsets(%dma_start3A_119 : memref<128xi32, #tpu.memory_space<vmem>>) semaphore(%arg17 : memref<!tpu.dma_semaphore, #tpu.memory_space<semaphore_mem>>)
    %iota3A = tpu.iota {dimensions = array<i32: 0>} : vector<16xi32>
    %scan3A = arith.constant 0 : i32
    %scan3A_123 = arith.constant 0 : i32
    %scan3A_124 = arith.constant 40 : i32
    %scan3A_125 = arith.addi %scan3A_123, %scan3A_124 : i32
    %scan3A_126 = arith.constant 1 : i32
    scf.for %scan3A_203 = %scan3A_123 to %scan3A_125 step %scan3A_126  : i32 {
      %rem3A = arith.constant 2 : i32
      %rem3A_204 = arith.remsi %scan3A_203, %rem3A : i32
      %dma_wait3A_205 = arith.constant 0 : i32
      %dma_wait3A_206 = arith.constant 0 : i32
      %dma_wait3A_207 = arith.constant 0 : i32
      %dma_wait3A_208 = arith.constant 0 : i32
      %dma_wait3A_209 = tpu.memref_slice %arg10[%dma_wait3A_206, %dma_wait3A_207, %dma_wait3A_208] : memref<5x128x64xf32, #tpu.memory_space<vmem>> -> memref<1x128x64xf32, #tpu.memory_space<vmem>>
      %dma_wait3A_210 = tpu.memref_squeeze %dma_wait3A_209 : memref<1x128x64xf32, #tpu.memory_space<vmem>> -> memref<128x64xf32, #tpu.memory_space<vmem>>
      %dma_wait3A_211 = arith.constant 0 : i32
      %dma_wait3A_212 = tpu.memref_slice %arg8[%dma_wait3A_205, %dma_wait3A_211] : memref<2x640xi32, #tpu.memory_space<vmem>> -> memref<1x128xi32, #tpu.memory_space<vmem>>
      %dma_wait3A_213 = tpu.memref_squeeze %dma_wait3A_212 : memref<1x128xi32, #tpu.memory_space<vmem>> -> memref<128xi32, #tpu.memory_space<vmem>>
      %dma_wait3A_214 = arith.constant 0 : i32
      %dma_wait3A_215 = arith.constant 0 : i32
      %dma_wait3A_216 = tpu.memref_slice %arg2[%dma_wait3A_214, %dma_wait3A_215] : memref<1000002x64xf32, #tpu.memory_space<hbm>> -> memref<1000002x64xf32, #tpu.memory_space<hbm>>
      tpu.wait_indirect_dma semaphore(%arg13 : memref<!tpu.dma_semaphore, #tpu.memory_space<semaphore_mem>>) src(%dma_wait3A_216 : memref<1000002x64xf32, #tpu.memory_space<hbm>>) dst(%dma_wait3A_210 : memref<128x64xf32, #tpu.memory_space<vmem>>)
      %broadcast_in_dim3A = arith.constant 0 : i32
      %broadcast_in_dim3A_217 = vector.broadcast %broadcast_in_dim3A : i32 to vector<16xi32>
      %scan3A_218 = arith.constant 0 : i32
      %scan3A_219 = arith.constant 0 : i32
      %scan3A_220 = arith.constant 8 : i32
      %scan3A_221 = arith.addi %scan3A_219, %scan3A_220 : i32
      %scan3A_222 = arith.constant 1 : i32
      scf.for %scan3A_396 = %scan3A_219 to %scan3A_221 step %scan3A_222  : i32 {
        %mul3A_397 = arith.constant 16 : i32
        %mul3A_398 = arith.muli %scan3A_396, %mul3A_397 : i32
        %multiple_of3A = tpu.assume_multiple %mul3A_398, 16 : i32
        %add3A_399 = arith.constant 0 : i32
        %add3A_400 = arith.addi %add3A_399, %multiple_of3A : i32
        %get3A = arith.index_cast %rem3A_204 : i32 to index
        %get3A_401 = arith.index_cast %add3A_400 : i32 to index
        %get3A_402 = tpu.vector_load %arg9[%get3A, %get3A_401] {strides = array<i32>} : memref<2x640xi32, #tpu.memory_space<vmem>>, vector<16xi32>,
        %shift_right_logical3A = arith.constant 2 : i32
        %shift_right_logical3A_403 = vector.broadcast %shift_right_logical3A : i32 to vector<16xi32>
        %shift_right_logical3A_404 = arith.shrui %get3A_402, %shift_right_logical3A_403 : vector<16xi32>
        %and3A = arith.constant 3 : i32
        %and3A_405 = vector.broadcast %and3A : i32 to vector<16xi32>
        %and3A_406 = arith.andi %get3A_402, %and3A_405 : vector<16xi32>
        %add3A_407 = vector.broadcast %multiple_of3A : i32 to vector<16xi32>
        %add3A_408 = arith.addi %add3A_407, %iota3A : vector<16xi32>
        %parallel_loop3A = arith.constant 0 : i32
        %parallel_loop3A_409 = arith.constant 64 : i32
        %parallel_loop3A_410 = arith.constant 1 : i32
        scf.for %parallel_loop3A_411 = %parallel_loop3A to %parallel_loop3A_409 step %parallel_loop3A_410  : i32 {
          %parallel_loop3A_412 = vector.broadcast %parallel_loop3A_411 : i32 to vector<16xi32>
          %parallel_loop3A_413 = arith.addi %iota3A, %parallel_loop3A_412 : vector<16xi32>
          %parallel_loop3A_414 = arith.constant 63 : i32
          %parallel_loop3A_415 = vector.broadcast %parallel_loop3A_414 : i32 to vector<16xi32>
          %parallel_loop3A_416 = arith.andi %parallel_loop3A_413, %parallel_loop3A_415 : vector<16xi32>
          %parallel_loop3A_417 = tpu.vector_load_idx %arg11[%parallel_loop3A_416, %shift_right_logical3A_404] : memref<64x1025xf32, #tpu.memory_space<vmem>>[vector<16xi32>, vector<16xi32>], vector<16xf32>,
          %parallel_loop3A_418 = tpu.vector_load_idx %arg12[%parallel_loop3A_416, %and3A_406] : memref<64x5xf32, #tpu.memory_space<vmem>>[vector<16xi32>, vector<16xi32>], vector<16xf32>,
          %parallel_loop3A_419 = arith.addf %parallel_loop3A_417, %parallel_loop3A_418 : vector<16xf32>
          tpu.vector_store_idx %arg10[%broadcast_in_dim3A_217, %add3A_408, %parallel_loop3A_416], %parallel_loop3A_419 {add = true} : memref<5x128x64xf32, #tpu.memory_space<vmem>>[vector<16xi32>, vector<16xi32>, vector<16xi32>], vector<16xf32>,
        } {sc.loop_unroll_factor = 8 : i64, sc.parallel_access}
      }
      %scan3A_223 = arith.constant 8 : i32
      %mul3A_224 = arith.constant 640 : i32
      %mul3A_225 = arith.muli %scan3A_203, %mul3A_224 : i32
      %add3A_226 = arith.addi %mul3A_2, %mul3A_225 : i32
      %add3A_227 = arith.constant 0 : i32
      %add3A_228 = arith.addi %add3A_226, %add3A_227 : i32
      %dma_start3A_229 = arith.constant 0 : i32
      %dma_start3A_230 = arith.constant 0 : i32
      %dma_start3A_231 = arith.constant 0 : i32
      %dma_start3A_232 = tpu.memref_slice %arg10[%dma_start3A_229, %dma_start3A_230, %dma_start3A_231] : memref<5x128x64xf32, #tpu.memory_space<vmem>> -> memref<1x128x64xf32, #tpu.memory_space<vmem>>
      %dma_start3A_233 = tpu.memref_squeeze %dma_start3A_232 : memref<1x128x64xf32, #tpu.memory_space<vmem>> -> memref<128x64xf32, #tpu.memory_space<vmem>>
      %dma_start3A_234 = arith.constant 0 : i32
      %dma_start3A_235 = tpu.memref_slice %arg7[%add3A_228, %dma_start3A_234] : memref<819200x64xf32, #tpu.memory_space<hbm>> -> memref<128x64xf32, #tpu.memory_space<hbm>>
      %dma_start3A_236 = arith.constant 0 : i32
      %dma_start3A_237 = tpu.memref_slice %arg7[%add3A_228, %dma_start3A_236] : memref<819200x64xf32, #tpu.memory_space<hbm>> -> memref<128x64xf32, #tpu.memory_space<hbm>>
      %dma_start3A_238 = arith.constant 0 : i32
      %dma_start3A_239 = arith.constant 0 : i32
      %dma_start3A_240 = tpu.memref_slice %arg10[%dma_start3A_229, %dma_start3A_238, %dma_start3A_239] : memref<5x128x64xf32, #tpu.memory_space<vmem>> -> memref<1x128x64xf32, #tpu.memory_space<vmem>>
      %dma_start3A_241 = tpu.memref_squeeze %dma_start3A_240 : memref<1x128x64xf32, #tpu.memory_space<vmem>> -> memref<128x64xf32, #tpu.memory_space<vmem>>
      tpu.enqueue_dma source(%dma_start3A_241 : memref<128x64xf32, #tpu.memory_space<vmem>>) target(%dma_start3A_237 : memref<128x64xf32, #tpu.memory_space<hbm>>) target_semaphore(%arg18 : memref<!tpu.dma_semaphore, #tpu.memory_space<semaphore_mem>>)
      %dma_wait3A_242 = arith.constant 0 : i32
      %dma_wait3A_243 = arith.constant 1 : i32
      %dma_wait3A_244 = arith.constant 0 : i32
      %dma_wait3A_245 = arith.constant 0 : i32
      %dma_wait3A_246 = tpu.memref_slice %arg10[%dma_wait3A_243, %dma_wait3A_244, %dma_wait3A_245] : memref<5x128x64xf32, #tpu.memory_space<vmem>> -> memref<1x128x64xf32, #tpu.memory_space<vmem>>
      %dma_wait3A_247 = tpu.memref_squeeze %dma_wait3A_246 : memref<1x128x64xf32, #tpu.memory_space<vmem>> -> memref<128x64xf32, #tpu.memory_space<vmem>>
      %dma_wait3A_248 = arith.constant 0 : i32
      %dma_wait3A_249 = tpu.memref_slice %arg8[%dma_wait3A_242, %dma_wait3A_248] : memref<2x640xi32, #tpu.memory_space<vmem>> -> memref<1x128xi32, #tpu.memory_space<vmem>>
      %dma_wait3A_250 = tpu.memref_squeeze %dma_wait3A_249 : memref<1x128xi32, #tpu.memory_space<vmem>> -> memref<128xi32, #tpu.memory_space<vmem>>
      %dma_wait3A_251 = arith.constant 0 : i32
      %dma_wait3A_252 = arith.constant 0 : i32
      %dma_wait3A_253 = tpu.memref_slice %arg2[%dma_wait3A_251, %dma_wait3A_252] : memref<1000002x64xf32, #tpu.memory_space<hbm>> -> memref<1000002x64xf32, #tpu.memory_space<hbm>>
      tpu.wait_indirect_dma semaphore(%arg14 : memref<!tpu.dma_semaphore, #tpu.memory_space<semaphore_mem>>) src(%dma_wait3A_253 : memref<1000002x64xf32, #tpu.memory_space<hbm>>) dst(%dma_wait3A_247 : memref<128x64xf32, #tpu.memory_space<vmem>>)
      %broadcast_in_dim3A_254 = arith.constant 1 : i32
      %broadcast_in_dim3A_255 = vector.broadcast %broadcast_in_dim3A_254 : i32 to vector<16xi32>
      %scan3A_256 = arith.constant 0 : i32
      %scan3A_257 = arith.constant 0 : i32
      %scan3A_258 = arith.constant 8 : i32
      %scan3A_259 = arith.addi %scan3A_257, %scan3A_258 : i32
      %scan3A_260 = arith.constant 1 : i32
      scf.for %scan3A_396 = %scan3A_257 to %scan3A_259 step %scan3A_260  : i32 {
        %mul3A_397 = arith.constant 16 : i32
        %mul3A_398 = arith.muli %scan3A_396, %mul3A_397 : i32
        %multiple_of3A = tpu.assume_multiple %mul3A_398, 16 : i32
        %add3A_399 = arith.constant 128 : i32
        %add3A_400 = arith.addi %add3A_399, %multiple_of3A : i32
        %get3A = arith.index_cast %rem3A_204 : i32 to index
        %get3A_401 = arith.index_cast %add3A_400 : i32 to index
        %get3A_402 = tpu.vector_load %arg9[%get3A, %get3A_401] {strides = array<i32>} : memref<2x640xi32, #tpu.memory_space<vmem>>, vector<16xi32>,
        %shift_right_logical3A = arith.constant 2 : i32
        %shift_right_logical3A_403 = vector.broadcast %shift_right_logical3A : i32 to vector<16xi32>
        %shift_right_logical3A_404 = arith.shrui %get3A_402, %shift_right_logical3A_403 : vector<16xi32>
        %and3A = arith.constant 3 : i32
        %and3A_405 = vector.broadcast %and3A : i32 to vector<16xi32>
        %and3A_406 = arith.andi %get3A_402, %and3A_405 : vector<16xi32>
        %add3A_407 = vector.broadcast %multiple_of3A : i32 to vector<16xi32>
        %add3A_408 = arith.addi %add3A_407, %iota3A : vector<16xi32>
        %parallel_loop3A = arith.constant 0 : i32
        %parallel_loop3A_409 = arith.constant 64 : i32
        %parallel_loop3A_410 = arith.constant 1 : i32
        scf.for %parallel_loop3A_411 = %parallel_loop3A to %parallel_loop3A_409 step %parallel_loop3A_410  : i32 {
          %parallel_loop3A_412 = vector.broadcast %parallel_loop3A_411 : i32 to vector<16xi32>
          %parallel_loop3A_413 = arith.addi %iota3A, %parallel_loop3A_412 : vector<16xi32>
          %parallel_loop3A_414 = arith.constant 63 : i32
          %parallel_loop3A_415 = vector.broadcast %parallel_loop3A_414 : i32 to vector<16xi32>
          %parallel_loop3A_416 = arith.andi %parallel_loop3A_413, %parallel_loop3A_415 : vector<16xi32>
          %parallel_loop3A_417 = tpu.vector_load_idx %arg11[%parallel_loop3A_416, %shift_right_logical3A_404] : memref<64x1025xf32, #tpu.memory_space<vmem>>[vector<16xi32>, vector<16xi32>], vector<16xf32>,
          %parallel_loop3A_418 = tpu.vector_load_idx %arg12[%parallel_loop3A_416, %and3A_406] : memref<64x5xf32, #tpu.memory_space<vmem>>[vector<16xi32>, vector<16xi32>], vector<16xf32>,
          %parallel_loop3A_419 = arith.addf %parallel_loop3A_417, %parallel_loop3A_418 : vector<16xf32>
          tpu.vector_store_idx %arg10[%broadcast_in_dim3A_255, %add3A_408, %parallel_loop3A_416], %parallel_loop3A_419 {add = true} : memref<5x128x64xf32, #tpu.memory_space<vmem>>[vector<16xi32>, vector<16xi32>, vector<16xi32>], vector<16xf32>,
        } {sc.loop_unroll_factor = 8 : i64, sc.parallel_access}
      }
      %scan3A_261 = arith.constant 8 : i32
      %mul3A_262 = arith.constant 640 : i32
      %mul3A_263 = arith.muli %scan3A_203, %mul3A_262 : i32
      %add3A_264 = arith.addi %mul3A_2, %mul3A_263 : i32
      %add3A_265 = arith.constant 128 : i32
      %add3A_266 = arith.addi %add3A_264, %add3A_265 : i32
      %dma_start3A_267 = arith.constant 1 : i32
      %dma_start3A_268 = arith.constant 0 : i32
      %dma_start3A_269 = arith.constant 0 : i32
      %dma_start3A_270 = tpu.memref_slice %arg10[%dma_start3A_267, %dma_start3A_268, %dma_start3A_269] : memref<5x128x64xf32, #tpu.memory_space<vmem>> -> memref<1x128x64xf32, #tpu.memory_space<vmem>>
      %dma_start3A_271 = tpu.memref_squeeze %dma_start3A_270 : memref<1x128x64xf32, #tpu.memory_space<vmem>> -> memref<128x64xf32, #tpu.memory_space<vmem>>
      %dma_start3A_272 = arith.constant 0 : i32
      %dma_start3A_273 = tpu.memref_slice %arg7[%add3A_266, %dma_start3A_272] : memref<819200x64xf32, #tpu.memory_space<hbm>> -> memref<128x64xf32, #tpu.memory_space<hbm>>
      %dma_start3A_274 = arith.constant 0 : i32
      %dma_start3A_275 = tpu.memref_slice %arg7[%add3A_266, %dma_start3A_274] : memref<819200x64xf32, #tpu.memory_space<hbm>> -> memref<128x64xf32, #tpu.memory_space<hbm>>
      %dma_start3A_276 = arith.constant 0 : i32
      %dma_start3A_277 = arith.constant 0 : i32
      %dma_start3A_278 = tpu.memref_slice %arg10[%dma_start3A_267, %dma_start3A_276, %dma_start3A_277] : memref<5x128x64xf32, #tpu.memory_space<vmem>> -> memref<1x128x64xf32, #tpu.memory_space<vmem>>
      %dma_start3A_279 = tpu.memref_squeeze %dma_start3A_278 : memref<1x128x64xf32, #tpu.memory_space<vmem>> -> memref<128x64xf32, #tpu.memory_space<vmem>>
      tpu.enqueue_dma source(%dma_start3A_279 : memref<128x64xf32, #tpu.memory_space<vmem>>) target(%dma_start3A_275 : memref<128x64xf32, #tpu.memory_space<hbm>>) target_semaphore(%arg19 : memref<!tpu.dma_semaphore, #tpu.memory_space<semaphore_mem>>)
      %dma_wait3A_280 = arith.constant 0 : i32
      %dma_wait3A_281 = arith.constant 2 : i32
      %dma_wait3A_282 = arith.constant 0 : i32
      %dma_wait3A_283 = arith.constant 0 : i32
      %dma_wait3A_284 = tpu.memref_slice %arg10[%dma_wait3A_281, %dma_wait3A_282, %dma_wait3A_283] : memref<5x128x64xf32, #tpu.memory_space<vmem>> -> memref<1x128x64xf32, #tpu.memory_space<vmem>>
      %dma_wait3A_285 = tpu.memref_squeeze %dma_wait3A_284 : memref<1x128x64xf32, #tpu.memory_space<vmem>> -> memref<128x64xf32, #tpu.memory_space<vmem>>
      %dma_wait3A_286 = arith.constant 0 : i32
      %dma_wait3A_287 = tpu.memref_slice %arg8[%dma_wait3A_280, %dma_wait3A_286] : memref<2x640xi32, #tpu.memory_space<vmem>> -> memref<1x128xi32, #tpu.memory_space<vmem>>
      %dma_wait3A_288 = tpu.memref_squeeze %dma_wait3A_287 : memref<1x128xi32, #tpu.memory_space<vmem>> -> memref<128xi32, #tpu.memory_space<vmem>>
      %dma_wait3A_289 = arith.constant 0 : i32
      %dma_wait3A_290 = arith.constant 0 : i32
      %dma_wait3A_291 = tpu.memref_slice %arg2[%dma_wait3A_289, %dma_wait3A_290] : memref<1000002x64xf32, #tpu.memory_space<hbm>> -> memref<1000002x64xf32, #tpu.memory_space<hbm>>
      tpu.wait_indirect_dma semaphore(%arg15 : memref<!tpu.dma_semaphore, #tpu.memory_space<semaphore_mem>>) src(%dma_wait3A_291 : memref<1000002x64xf32, #tpu.memory_space<hbm>>) dst(%dma_wait3A_285 : memref<128x64xf32, #tpu.memory_space<vmem>>)
      %broadcast_in_dim3A_292 = arith.constant 2 : i32
      %broadcast_in_dim3A_293 = vector.broadcast %broadcast_in_dim3A_292 : i32 to vector<16xi32>
      %scan3A_294 = arith.constant 0 : i32
      %scan3A_295 = arith.constant 0 : i32
      %scan3A_296 = arith.constant 8 : i32
      %scan3A_297 = arith.addi %scan3A_295, %scan3A_296 : i32
      %scan3A_298 = arith.constant 1 : i32
      scf.for %scan3A_396 = %scan3A_295 to %scan3A_297 step %scan3A_298  : i32 {
        %mul3A_397 = arith.constant 16 : i32
        %mul3A_398 = arith.muli %scan3A_396, %mul3A_397 : i32
        %multiple_of3A = tpu.assume_multiple %mul3A_398, 16 : i32
        %add3A_399 = arith.constant 256 : i32
        %add3A_400 = arith.addi %add3A_399, %multiple_of3A : i32
        %get3A = arith.index_cast %rem3A_204 : i32 to index
        %get3A_401 = arith.index_cast %add3A_400 : i32 to index
        %get3A_402 = tpu.vector_load %arg9[%get3A, %get3A_401] {strides = array<i32>} : memref<2x640xi32, #tpu.memory_space<vmem>>, vector<16xi32>,
        %shift_right_logical3A = arith.constant 2 : i32
        %shift_right_logical3A_403 = vector.broadcast %shift_right_logical3A : i32 to vector<16xi32>
        %shift_right_logical3A_404 = arith.shrui %get3A_402, %shift_right_logical3A_403 : vector<16xi32>
        %and3A = arith.constant 3 : i32
        %and3A_405 = vector.broadcast %and3A : i32 to vector<16xi32>
        %and3A_406 = arith.andi %get3A_402, %and3A_405 : vector<16xi32>
        %add3A_407 = vector.broadcast %multiple_of3A : i32 to vector<16xi32>
        %add3A_408 = arith.addi %add3A_407, %iota3A : vector<16xi32>
        %parallel_loop3A = arith.constant 0 : i32
        %parallel_loop3A_409 = arith.constant 64 : i32
        %parallel_loop3A_410 = arith.constant 1 : i32
        scf.for %parallel_loop3A_411 = %parallel_loop3A to %parallel_loop3A_409 step %parallel_loop3A_410  : i32 {
          %parallel_loop3A_412 = vector.broadcast %parallel_loop3A_411 : i32 to vector<16xi32>
          %parallel_loop3A_413 = arith.addi %iota3A, %parallel_loop3A_412 : vector<16xi32>
          %parallel_loop3A_414 = arith.constant 63 : i32
          %parallel_loop3A_415 = vector.broadcast %parallel_loop3A_414 : i32 to vector<16xi32>
          %parallel_loop3A_416 = arith.andi %parallel_loop3A_413, %parallel_loop3A_415 : vector<16xi32>
          %parallel_loop3A_417 = tpu.vector_load_idx %arg11[%parallel_loop3A_416, %shift_right_logical3A_404] : memref<64x1025xf32, #tpu.memory_space<vmem>>[vector<16xi32>, vector<16xi32>], vector<16xf32>,
          %parallel_loop3A_418 = tpu.vector_load_idx %arg12[%parallel_loop3A_416, %and3A_406] : memref<64x5xf32, #tpu.memory_space<vmem>>[vector<16xi32>, vector<16xi32>], vector<16xf32>,
          %parallel_loop3A_419 = arith.addf %parallel_loop3A_417, %parallel_loop3A_418 : vector<16xf32>
          tpu.vector_store_idx %arg10[%broadcast_in_dim3A_293, %add3A_408, %parallel_loop3A_416], %parallel_loop3A_419 {add = true} : memref<5x128x64xf32, #tpu.memory_space<vmem>>[vector<16xi32>, vector<16xi32>, vector<16xi32>], vector<16xf32>,
        } {sc.loop_unroll_factor = 8 : i64, sc.parallel_access}
      }
      %scan3A_299 = arith.constant 8 : i32
      %mul3A_300 = arith.constant 640 : i32
      %mul3A_301 = arith.muli %scan3A_203, %mul3A_300 : i32
      %add3A_302 = arith.addi %mul3A_2, %mul3A_301 : i32
      %add3A_303 = arith.constant 256 : i32
      %add3A_304 = arith.addi %add3A_302, %add3A_303 : i32
      %dma_start3A_305 = arith.constant 2 : i32
      %dma_start3A_306 = arith.constant 0 : i32
      %dma_start3A_307 = arith.constant 0 : i32
      %dma_start3A_308 = tpu.memref_slice %arg10[%dma_start3A_305, %dma_start3A_306, %dma_start3A_307] : memref<5x128x64xf32, #tpu.memory_space<vmem>> -> memref<1x128x64xf32, #tpu.memory_space<vmem>>
      %dma_start3A_309 = tpu.memref_squeeze %dma_start3A_308 : memref<1x128x64xf32, #tpu.memory_space<vmem>> -> memref<128x64xf32, #tpu.memory_space<vmem>>
      %dma_start3A_310 = arith.constant 0 : i32
      %dma_start3A_311 = tpu.memref_slice %arg7[%add3A_304, %dma_start3A_310] : memref<819200x64xf32, #tpu.memory_space<hbm>> -> memref<128x64xf32, #tpu.memory_space<hbm>>
      %dma_start3A_312 = arith.constant 0 : i32
      %dma_start3A_313 = tpu.memref_slice %arg7[%add3A_304, %dma_start3A_312] : memref<819200x64xf32, #tpu.memory_space<hbm>> -> memref<128x64xf32, #tpu.memory_space<hbm>>
      %dma_start3A_314 = arith.constant 0 : i32
      %dma_start3A_315 = arith.constant 0 : i32
      %dma_start3A_316 = tpu.memref_slice %arg10[%dma_start3A_305, %dma_start3A_314, %dma_start3A_315] : memref<5x128x64xf32, #tpu.memory_space<vmem>> -> memref<1x128x64xf32, #tpu.memory_space<vmem>>
      %dma_start3A_317 = tpu.memref_squeeze %dma_start3A_316 : memref<1x128x64xf32, #tpu.memory_space<vmem>> -> memref<128x64xf32, #tpu.memory_space<vmem>>
      tpu.enqueue_dma source(%dma_start3A_317 : memref<128x64xf32, #tpu.memory_space<vmem>>) target(%dma_start3A_313 : memref<128x64xf32, #tpu.memory_space<hbm>>) target_semaphore(%arg20 : memref<!tpu.dma_semaphore, #tpu.memory_space<semaphore_mem>>)
      %dma_wait3A_318 = arith.constant 0 : i32
      %dma_wait3A_319 = arith.constant 3 : i32
      %dma_wait3A_320 = arith.constant 0 : i32
      %dma_wait3A_321 = arith.constant 0 : i32
      %dma_wait3A_322 = tpu.memref_slice %arg10[%dma_wait3A_319, %dma_wait3A_320, %dma_wait3A_321] : memref<5x128x64xf32, #tpu.memory_space<vmem>> -> memref<1x128x64xf32, #tpu.memory_space<vmem>>
      %dma_wait3A_323 = tpu.memref_squeeze %dma_wait3A_322 : memref<1x128x64xf32, #tpu.memory_space<vmem>> -> memref<128x64xf32, #tpu.memory_space<vmem>>
      %dma_wait3A_324 = arith.constant 0 : i32
      %dma_wait3A_325 = tpu.memref_slice %arg8[%dma_wait3A_318, %dma_wait3A_324] : memref<2x640xi32, #tpu.memory_space<vmem>> -> memref<1x128xi32, #tpu.memory_space<vmem>>
      %dma_wait3A_326 = tpu.memref_squeeze %dma_wait3A_325 : memref<1x128xi32, #tpu.memory_space<vmem>> -> memref<128xi32, #tpu.memory_space<vmem>>
      %dma_wait3A_327 = arith.constant 0 : i32
      %dma_wait3A_328 = arith.constant 0 : i32
      %dma_wait3A_329 = tpu.memref_slice %arg2[%dma_wait3A_327, %dma_wait3A_328] : memref<1000002x64xf32, #tpu.memory_space<hbm>> -> memref<1000002x64xf32, #tpu.memory_space<hbm>>
      tpu.wait_indirect_dma semaphore(%arg16 : memref<!tpu.dma_semaphore, #tpu.memory_space<semaphore_mem>>) src(%dma_wait3A_329 : memref<1000002x64xf32, #tpu.memory_space<hbm>>) dst(%dma_wait3A_323 : memref<128x64xf32, #tpu.memory_space<vmem>>)
      %broadcast_in_dim3A_330 = arith.constant 3 : i32
      %broadcast_in_dim3A_331 = vector.broadcast %broadcast_in_dim3A_330 : i32 to vector<16xi32>
      %scan3A_332 = arith.constant 0 : i32
      %scan3A_333 = arith.constant 0 : i32
      %scan3A_334 = arith.constant 8 : i32
      %scan3A_335 = arith.addi %scan3A_333, %scan3A_334 : i32
      %scan3A_336 = arith.constant 1 : i32
      scf.for %scan3A_396 = %scan3A_333 to %scan3A_335 step %scan3A_336  : i32 {
        %mul3A_397 = arith.constant 16 : i32
        %mul3A_398 = arith.muli %scan3A_396, %mul3A_397 : i32
        %multiple_of3A = tpu.assume_multiple %mul3A_398, 16 : i32
        %add3A_399 = arith.constant 384 : i32
        %add3A_400 = arith.addi %add3A_399, %multiple_of3A : i32
        %get3A = arith.index_cast %rem3A_204 : i32 to index
        %get3A_401 = arith.index_cast %add3A_400 : i32 to index
        %get3A_402 = tpu.vector_load %arg9[%get3A, %get3A_401] {strides = array<i32>} : memref<2x640xi32, #tpu.memory_space<vmem>>, vector<16xi32>,
        %shift_right_logical3A = arith.constant 2 : i32
        %shift_right_logical3A_403 = vector.broadcast %shift_right_logical3A : i32 to vector<16xi32>
        %shift_right_logical3A_404 = arith.shrui %get3A_402, %shift_right_logical3A_403 : vector<16xi32>
        %and3A = arith.constant 3 : i32
        %and3A_405 = vector.broadcast %and3A : i32 to vector<16xi32>
        %and3A_406 = arith.andi %get3A_402, %and3A_405 : vector<16xi32>
        %add3A_407 = vector.broadcast %multiple_of3A : i32 to vector<16xi32>
        %add3A_408 = arith.addi %add3A_407, %iota3A : vector<16xi32>
        %parallel_loop3A = arith.constant 0 : i32
        %parallel_loop3A_409 = arith.constant 64 : i32
        %parallel_loop3A_410 = arith.constant 1 : i32
        scf.for %parallel_loop3A_411 = %parallel_loop3A to %parallel_loop3A_409 step %parallel_loop3A_410  : i32 {
          %parallel_loop3A_412 = vector.broadcast %parallel_loop3A_411 : i32 to vector<16xi32>
          %parallel_loop3A_413 = arith.addi %iota3A, %parallel_loop3A_412 : vector<16xi32>
          %parallel_loop3A_414 = arith.constant 63 : i32
          %parallel_loop3A_415 = vector.broadcast %parallel_loop3A_414 : i32 to vector<16xi32>
          %parallel_loop3A_416 = arith.andi %parallel_loop3A_413, %parallel_loop3A_415 : vector<16xi32>
          %parallel_loop3A_417 = tpu.vector_load_idx %arg11[%parallel_loop3A_416, %shift_right_logical3A_404] : memref<64x1025xf32, #tpu.memory_space<vmem>>[vector<16xi32>, vector<16xi32>], vector<16xf32>,
          %parallel_loop3A_418 = tpu.vector_load_idx %arg12[%parallel_loop3A_416, %and3A_406] : memref<64x5xf32, #tpu.memory_space<vmem>>[vector<16xi32>, vector<16xi32>], vector<16xf32>,
          %parallel_loop3A_419 = arith.addf %parallel_loop3A_417, %parallel_loop3A_418 : vector<16xf32>
          tpu.vector_store_idx %arg10[%broadcast_in_dim3A_331, %add3A_408, %parallel_loop3A_416], %parallel_loop3A_419 {add = true} : memref<5x128x64xf32, #tpu.memory_space<vmem>>[vector<16xi32>, vector<16xi32>, vector<16xi32>], vector<16xf32>,
        } {sc.loop_unroll_factor = 8 : i64, sc.parallel_access}
      }
      %scan3A_337 = arith.constant 8 : i32
      %mul3A_338 = arith.constant 640 : i32
      %mul3A_339 = arith.muli %scan3A_203, %mul3A_338 : i32
      %add3A_340 = arith.addi %mul3A_2, %mul3A_339 : i32
      %add3A_341 = arith.constant 384 : i32
      %add3A_342 = arith.addi %add3A_340, %add3A_341 : i32
      %dma_start3A_343 = arith.constant 3 : i32
      %dma_start3A_344 = arith.constant 0 : i32
      %dma_start3A_345 = arith.constant 0 : i32
      %dma_start3A_346 = tpu.memref_slice %arg10[%dma_start3A_343, %dma_start3A_344, %dma_start3A_345] : memref<5x128x64xf32, #tpu.memory_space<vmem>> -> memref<1x128x64xf32, #tpu.memory_space<vmem>>
      %dma_start3A_347 = tpu.memref_squeeze %dma_start3A_346 : memref<1x128x64xf32, #tpu.memory_space<vmem>> -> memref<128x64xf32, #tpu.memory_space<vmem>>
      %dma_start3A_348 = arith.constant 0 : i32
      %dma_start3A_349 = tpu.memref_slice %arg7[%add3A_342, %dma_start3A_348] : memref<819200x64xf32, #tpu.memory_space<hbm>> -> memref<128x64xf32, #tpu.memory_space<hbm>>
      %dma_start3A_350 = arith.constant 0 : i32
      %dma_start3A_351 = tpu.memref_slice %arg7[%add3A_342, %dma_start3A_350] : memref<819200x64xf32, #tpu.memory_space<hbm>> -> memref<128x64xf32, #tpu.memory_space<hbm>>
      %dma_start3A_352 = arith.constant 0 : i32
      %dma_start3A_353 = arith.constant 0 : i32
      %dma_start3A_354 = tpu.memref_slice %arg10[%dma_start3A_343, %dma_start3A_352, %dma_start3A_353] : memref<5x128x64xf32, #tpu.memory_space<vmem>> -> memref<1x128x64xf32, #tpu.memory_space<vmem>>
      %dma_start3A_355 = tpu.memref_squeeze %dma_start3A_354 : memref<1x128x64xf32, #tpu.memory_space<vmem>> -> memref<128x64xf32, #tpu.memory_space<vmem>>
      tpu.enqueue_dma source(%dma_start3A_355 : memref<128x64xf32, #tpu.memory_space<vmem>>) target(%dma_start3A_351 : memref<128x64xf32, #tpu.memory_space<hbm>>) target_semaphore(%arg21 : memref<!tpu.dma_semaphore, #tpu.memory_space<semaphore_mem>>)
      %dma_wait3A_356 = arith.constant 0 : i32
      %dma_wait3A_357 = arith.constant 4 : i32
      %dma_wait3A_358 = arith.constant 0 : i32
      %dma_wait3A_359 = arith.constant 0 : i32
      %dma_wait3A_360 = tpu.memref_slice %arg10[%dma_wait3A_357, %dma_wait3A_358, %dma_wait3A_359] : memref<5x128x64xf32, #tpu.memory_space<vmem>> -> memref<1x128x64xf32, #tpu.memory_space<vmem>>
      %dma_wait3A_361 = tpu.memref_squeeze %dma_wait3A_360 : memref<1x128x64xf32, #tpu.memory_space<vmem>> -> memref<128x64xf32, #tpu.memory_space<vmem>>
      %dma_wait3A_362 = arith.constant 0 : i32
      %dma_wait3A_363 = tpu.memref_slice %arg8[%dma_wait3A_356, %dma_wait3A_362] : memref<2x640xi32, #tpu.memory_space<vmem>> -> memref<1x128xi32, #tpu.memory_space<vmem>>
      %dma_wait3A_364 = tpu.memref_squeeze %dma_wait3A_363 : memref<1x128xi32, #tpu.memory_space<vmem>> -> memref<128xi32, #tpu.memory_space<vmem>>
      %dma_wait3A_365 = arith.constant 0 : i32
      %dma_wait3A_366 = arith.constant 0 : i32
      %dma_wait3A_367 = tpu.memref_slice %arg2[%dma_wait3A_365, %dma_wait3A_366] : memref<1000002x64xf32, #tpu.memory_space<hbm>> -> memref<1000002x64xf32, #tpu.memory_space<hbm>>
      tpu.wait_indirect_dma semaphore(%arg17 : memref<!tpu.dma_semaphore, #tpu.memory_space<semaphore_mem>>) src(%dma_wait3A_367 : memref<1000002x64xf32, #tpu.memory_space<hbm>>) dst(%dma_wait3A_361 : memref<128x64xf32, #tpu.memory_space<vmem>>)
      %broadcast_in_dim3A_368 = arith.constant 4 : i32
      %broadcast_in_dim3A_369 = vector.broadcast %broadcast_in_dim3A_368 : i32 to vector<16xi32>
      %scan3A_370 = arith.constant 0 : i32
      %scan3A_371 = arith.constant 0 : i32
      %scan3A_372 = arith.constant 8 : i32
      %scan3A_373 = arith.addi %scan3A_371, %scan3A_372 : i32
      %scan3A_374 = arith.constant 1 : i32
      scf.for %scan3A_396 = %scan3A_371 to %scan3A_373 step %scan3A_374  : i32 {
        %mul3A_397 = arith.constant 16 : i32
        %mul3A_398 = arith.muli %scan3A_396, %mul3A_397 : i32
        %multiple_of3A = tpu.assume_multiple %mul3A_398, 16 : i32
        %add3A_399 = arith.constant 512 : i32
        %add3A_400 = arith.addi %add3A_399, %multiple_of3A : i32
        %get3A = arith.index_cast %rem3A_204 : i32 to index
        %get3A_401 = arith.index_cast %add3A_400 : i32 to index
        %get3A_402 = tpu.vector_load %arg9[%get3A, %get3A_401] {strides = array<i32>} : memref<2x640xi32, #tpu.memory_space<vmem>>, vector<16xi32>,
        %shift_right_logical3A = arith.constant 2 : i32
        %shift_right_logical3A_403 = vector.broadcast %shift_right_logical3A : i32 to vector<16xi32>
        %shift_right_logical3A_404 = arith.shrui %get3A_402, %shift_right_logical3A_403 : vector<16xi32>
        %and3A = arith.constant 3 : i32
        %and3A_405 = vector.broadcast %and3A : i32 to vector<16xi32>
        %and3A_406 = arith.andi %get3A_402, %and3A_405 : vector<16xi32>
        %add3A_407 = vector.broadcast %multiple_of3A : i32 to vector<16xi32>
        %add3A_408 = arith.addi %add3A_407, %iota3A : vector<16xi32>
        %parallel_loop3A = arith.constant 0 : i32
        %parallel_loop3A_409 = arith.constant 64 : i32
        %parallel_loop3A_410 = arith.constant 1 : i32
        scf.for %parallel_loop3A_411 = %parallel_loop3A to %parallel_loop3A_409 step %parallel_loop3A_410  : i32 {
          %parallel_loop3A_412 = vector.broadcast %parallel_loop3A_411 : i32 to vector<16xi32>
          %parallel_loop3A_413 = arith.addi %iota3A, %parallel_loop3A_412 : vector<16xi32>
          %parallel_loop3A_414 = arith.constant 63 : i32
          %parallel_loop3A_415 = vector.broadcast %parallel_loop3A_414 : i32 to vector<16xi32>
          %parallel_loop3A_416 = arith.andi %parallel_loop3A_413, %parallel_loop3A_415 : vector<16xi32>
          %parallel_loop3A_417 = tpu.vector_load_idx %arg11[%parallel_loop3A_416, %shift_right_logical3A_404] : memref<64x1025xf32, #tpu.memory_space<vmem>>[vector<16xi32>, vector<16xi32>], vector<16xf32>,
          %parallel_loop3A_418 = tpu.vector_load_idx %arg12[%parallel_loop3A_416, %and3A_406] : memref<64x5xf32, #tpu.memory_space<vmem>>[vector<16xi32>, vector<16xi32>], vector<16xf32>,
          %parallel_loop3A_419 = arith.addf %parallel_loop3A_417, %parallel_loop3A_418 : vector<16xf32>
          tpu.vector_store_idx %arg10[%broadcast_in_dim3A_369, %add3A_408, %parallel_loop3A_416], %parallel_loop3A_419 {add = true} : memref<5x128x64xf32, #tpu.memory_space<vmem>>[vector<16xi32>, vector<16xi32>, vector<16xi32>], vector<16xf32>,
        } {sc.loop_unroll_factor = 8 : i64, sc.parallel_access}
      }
      %scan3A_375 = arith.constant 8 : i32
      %mul3A_376 = arith.constant 640 : i32
      %mul3A_377 = arith.muli %scan3A_203, %mul3A_376 : i32
      %add3A_378 = arith.addi %mul3A_2, %mul3A_377 : i32
      %add3A_379 = arith.constant 512 : i32
      %add3A_380 = arith.addi %add3A_378, %add3A_379 : i32
      %dma_start3A_381 = arith.constant 4 : i32
      %dma_start3A_382 = arith.constant 0 : i32
      %dma_start3A_383 = arith.constant 0 : i32
      %dma_start3A_384 = tpu.memref_slice %arg10[%dma_start3A_381, %dma_start3A_382, %dma_start3A_383] : memref<5x128x64xf32, #tpu.memory_space<vmem>> -> memref<1x128x64xf32, #tpu.memory_space<vmem>>
      %dma_start3A_385 = tpu.memref_squeeze %dma_start3A_384 : memref<1x128x64xf32, #tpu.memory_space<vmem>> -> memref<128x64xf32, #tpu.memory_space<vmem>>
      %dma_start3A_386 = arith.constant 0 : i32
      %dma_start3A_387 = tpu.memref_slice %arg7[%add3A_380, %dma_start3A_386] : memref<819200x64xf32, #tpu.memory_space<hbm>> -> memref<128x64xf32, #tpu.memory_space<hbm>>
      %dma_start3A_388 = arith.constant 0 : i32
      %dma_start3A_389 = tpu.memref_slice %arg7[%add3A_380, %dma_start3A_388] : memref<819200x64xf32, #tpu.memory_space<hbm>> -> memref<128x64xf32, #tpu.memory_space<hbm>>
      %dma_start3A_390 = arith.constant 0 : i32
      %dma_start3A_391 = arith.constant 0 : i32
      %dma_start3A_392 = tpu.memref_slice %arg10[%dma_start3A_381, %dma_start3A_390, %dma_start3A_391] : memref<5x128x64xf32, #tpu.memory_space<vmem>> -> memref<1x128x64xf32, #tpu.memory_space<vmem>>
      %dma_start3A_393 = tpu.memref_squeeze %dma_start3A_392 : memref<1x128x64xf32, #tpu.memory_space<vmem>> -> memref<128x64xf32, #tpu.memory_space<vmem>>
      tpu.enqueue_dma source(%dma_start3A_393 : memref<128x64xf32, #tpu.memory_space<vmem>>) target(%dma_start3A_389 : memref<128x64xf32, #tpu.memory_space<hbm>>) target_semaphore(%arg22 : memref<!tpu.dma_semaphore, #tpu.memory_space<semaphore_mem>>)
      %lt3A = arith.constant 39 : i32
      %lt3A_394 = arith.cmpi slt, %scan3A_203, %lt3A : i32
      %convert_element_type3A = arith.extui %lt3A_394 : i1 to i32
      %cond3A = arith.constant 0 : i32
      %cond3A_395 = arith.cmpi ne, %convert_element_type3A, %cond3A : i32
      scf.if %cond3A_395 {
        %dma_wait3A_396 = arith.constant 0 : i32
        %dma_wait3A_397 = arith.constant 0 : i32
        %dma_wait3A_398 = tpu.memref_slice %arg8[%dma_wait3A_396, %dma_wait3A_397] : memref<2x640xi32, #tpu.memory_space<vmem>> -> memref<1x640xi32, #tpu.memory_space<vmem>>
        %dma_wait3A_399 = tpu.memref_squeeze %dma_wait3A_398 : memref<1x640xi32, #tpu.memory_space<vmem>> -> memref<640xi32, #tpu.memory_space<vmem>>
        %dma_wait3A_400 = arith.constant 0 : i32
        %dma_wait3A_401 = tpu.memref_slice %arg5[%dma_wait3A_400] : memref<819200xi32, #tpu.memory_space<hbm>> -> memref<640xi32, #tpu.memory_space<hbm>>
        %dma_wait3A_402 = arith.constant 0 : i32
        %dma_wait3A_403 = tpu.memref_slice %arg8[%dma_wait3A_396, %dma_wait3A_402] : memref<2x640xi32, #tpu.memory_space<vmem>> -> memref<1x640xi32, #tpu.memory_space<vmem>>
        %dma_wait3A_404 = tpu.memref_squeeze %dma_wait3A_403 : memref<1x640xi32, #tpu.memory_space<vmem>> -> memref<640xi32, #tpu.memory_space<vmem>>
        %dma_wait3A_405 = arith.constant 0 : i32
        %dma_wait3A_406 = tpu.memref_slice %arg5[%dma_wait3A_405] : memref<819200xi32, #tpu.memory_space<hbm>> -> memref<640xi32, #tpu.memory_space<hbm>>
        tpu.wait_dma2 semaphore(%arg23 : memref<!tpu.dma_semaphore, #tpu.memory_space<semaphore_mem>>) src(%dma_wait3A_406 : memref<640xi32, #tpu.memory_space<hbm>>) dst(%dma_wait3A_404 : memref<640xi32, #tpu.memory_space<vmem>>)
        %dma_wait3A_407 = arith.constant 0 : i32
        %dma_wait3A_408 = arith.constant 0 : i32
        %dma_wait3A_409 = tpu.memref_slice %arg9[%dma_wait3A_407, %dma_wait3A_408] : memref<2x640xi32, #tpu.memory_space<vmem>> -> memref<1x640xi32, #tpu.memory_space<vmem>>
        %dma_wait3A_410 = tpu.memref_squeeze %dma_wait3A_409 : memref<1x640xi32, #tpu.memory_space<vmem>> -> memref<640xi32, #tpu.memory_space<vmem>>
        %dma_wait3A_411 = arith.constant 0 : i32
        %dma_wait3A_412 = tpu.memref_slice %arg5[%dma_wait3A_411] : memref<819200xi32, #tpu.memory_space<hbm>> -> memref<640xi32, #tpu.memory_space<hbm>>
        %dma_wait3A_413 = arith.constant 0 : i32
        %dma_wait3A_414 = tpu.memref_slice %arg9[%dma_wait3A_407, %dma_wait3A_413] : memref<2x640xi32, #tpu.memory_space<vmem>> -> memref<1x640xi32, #tpu.memory_space<vmem>>
        %dma_wait3A_415 = tpu.memref_squeeze %dma_wait3A_414 : memref<1x640xi32, #tpu.memory_space<vmem>> -> memref<640xi32, #tpu.memory_space<vmem>>
        %dma_wait3A_416 = arith.constant 0 : i32
        %dma_wait3A_417 = tpu.memref_slice %arg5[%dma_wait3A_416] : memref<819200xi32, #tpu.memory_space<hbm>> -> memref<640xi32, #tpu.memory_space<hbm>>
        tpu.wait_dma2 semaphore(%arg23 : memref<!tpu.dma_semaphore, #tpu.memory_space<semaphore_mem>>) src(%dma_wait3A_417 : memref<640xi32, #tpu.memory_space<hbm>>) dst(%dma_wait3A_415 : memref<640xi32, #tpu.memory_space<vmem>>)
        %lt3A_418 = arith.constant 38 : i32
        %lt3A_419 = arith.cmpi slt, %scan3A_203, %lt3A_418 : i32
        %convert_element_type3A_420 = arith.extui %lt3A_419 : i1 to i32
        %cond3A_421 = arith.constant 0 : i32
        %cond3A_422 = arith.cmpi ne, %convert_element_type3A_420, %cond3A_421 : i32
        scf.if %cond3A_422 {
          %add3A_562 = arith.constant 2 : i32
          %add3A_563 = arith.addi %scan3A_203, %add3A_562 : i32
          %mul3A_564 = arith.constant 640 : i32
          %mul3A_565 = arith.muli %add3A_563, %mul3A_564 : i32
          %add3A_566 = arith.addi %mul3A_2, %mul3A_565 : i32
          %dma_start3A_567 = arith.constant 0 : i32
          %dma_start3A_568 = tpu.memref_slice %arg8[%rem3A_204, %dma_start3A_567] : memref<2x640xi32, #tpu.memory_space<vmem>> -> memref<1x640xi32, #tpu.memory_space<vmem>>
          %dma_start3A_569 = tpu.memref_squeeze %dma_start3A_568 : memref<1x640xi32, #tpu.memory_space<vmem>> -> memref<640xi32, #tpu.memory_space<vmem>>
          %dma_start3A_570 = tpu.memref_slice %arg5[%add3A_566] : memref<819200xi32, #tpu.memory_space<hbm>> -> memref<640xi32, #tpu.memory_space<hbm>>
          %dma_start3A_571 = arith.constant 0 : i32
          %dma_start3A_572 = tpu.memref_slice %arg8[%rem3A_204, %dma_start3A_571] : memref<2x640xi32, #tpu.memory_space<vmem>> -> memref<1x640xi32, #tpu.memory_space<vmem>>
          %dma_start3A_573 = tpu.memref_squeeze %dma_start3A_572 : memref<1x640xi32, #tpu.memory_space<vmem>> -> memref<640xi32, #tpu.memory_space<vmem>>
          %dma_start3A_574 = tpu.memref_slice %arg5[%add3A_566] : memref<819200xi32, #tpu.memory_space<hbm>> -> memref<640xi32, #tpu.memory_space<hbm>>
          tpu.enqueue_dma source(%dma_start3A_574 : memref<640xi32, #tpu.memory_space<hbm>>) target(%dma_start3A_573 : memref<640xi32, #tpu.memory_space<vmem>>) target_semaphore(%arg23 : memref<!tpu.dma_semaphore, #tpu.memory_space<semaphore_mem>>)
          %dma_start3A_575 = arith.constant 0 : i32
          %dma_start3A_576 = tpu.memref_slice %arg9[%rem3A_204, %dma_start3A_575] : memref<2x640xi32, #tpu.memory_space<vmem>> -> memref<1x640xi32, #tpu.memory_space<vmem>>
          %dma_start3A_577 = tpu.memref_squeeze %dma_start3A_576 : memref<1x640xi32, #tpu.memory_space<vmem>> -> memref<640xi32, #tpu.memory_space<vmem>>
          %dma_start3A_578 = tpu.memref_slice %arg6[%add3A_566] : memref<819200xi32, #tpu.memory_space<hbm>> -> memref<640xi32, #tpu.memory_space<hbm>>
          %dma_start3A_579 = arith.constant 0 : i32
          %dma_start3A_580 = tpu.memref_slice %arg9[%rem3A_204, %dma_start3A_579] : memref<2x640xi32, #tpu.memory_space<vmem>> -> memref<1x640xi32, #tpu.memory_space<vmem>>
          %dma_start3A_581 = tpu.memref_squeeze %dma_start3A_580 : memref<1x640xi32, #tpu.memory_space<vmem>> -> memref<640xi32, #tpu.memory_space<vmem>>
          %dma_start3A_582 = tpu.memref_slice %arg6[%add3A_566] : memref<819200xi32, #tpu.memory_space<hbm>> -> memref<640xi32, #tpu.memory_space<hbm>>
          tpu.enqueue_dma source(%dma_start3A_582 : memref<640xi32, #tpu.memory_space<hbm>>) target(%dma_start3A_581 : memref<640xi32, #tpu.memory_space<vmem>>) target_semaphore(%arg23 : memref<!tpu.dma_semaphore, #tpu.memory_space<semaphore_mem>>)
        } else {
        }
        %dma_wait3A_423 = arith.constant 0 : i32
        %dma_wait3A_424 = arith.constant 0 : i32
        %dma_wait3A_425 = arith.constant 0 : i32
        %dma_wait3A_426 = tpu.memref_slice %arg10[%dma_wait3A_423, %dma_wait3A_424, %dma_wait3A_425] : memref<5x128x64xf32, #tpu.memory_space<vmem>> -> memref<1x128x64xf32, #tpu.memory_space<vmem>>
        %dma_wait3A_427 = tpu.memref_squeeze %dma_wait3A_426 : memref<1x128x64xf32, #tpu.memory_space<vmem>> -> memref<128x64xf32, #tpu.memory_space<vmem>>
        %dma_wait3A_428 = arith.constant 0 : i32
        %dma_wait3A_429 = arith.constant 0 : i32
        %dma_wait3A_430 = tpu.memref_slice %arg7[%dma_wait3A_428, %dma_wait3A_429] : memref<819200x64xf32, #tpu.memory_space<hbm>> -> memref<128x64xf32, #tpu.memory_space<hbm>>
        %dma_wait3A_431 = arith.constant 0 : i32
        %dma_wait3A_432 = arith.constant 0 : i32
        %dma_wait3A_433 = tpu.memref_slice %arg7[%dma_wait3A_431, %dma_wait3A_432] : memref<819200x64xf32, #tpu.memory_space<hbm>> -> memref<128x64xf32, #tpu.memory_space<hbm>>
        %dma_wait3A_434 = arith.constant 0 : i32
        %dma_wait3A_435 = arith.constant 0 : i32
        %dma_wait3A_436 = tpu.memref_slice %arg10[%dma_wait3A_423, %dma_wait3A_434, %dma_wait3A_435] : memref<5x128x64xf32, #tpu.memory_space<vmem>> -> memref<1x128x64xf32, #tpu.memory_space<vmem>>
        %dma_wait3A_437 = tpu.memref_squeeze %dma_wait3A_436 : memref<1x128x64xf32, #tpu.memory_space<vmem>> -> memref<128x64xf32, #tpu.memory_space<vmem>>
        tpu.wait_dma2 semaphore(%arg18 : memref<!tpu.dma_semaphore, #tpu.memory_space<semaphore_mem>>) src(%dma_wait3A_437 : memref<128x64xf32, #tpu.memory_space<vmem>>) dst(%dma_wait3A_433 : memref<128x64xf32, #tpu.memory_space<hbm>>)
        %sub3A = arith.constant 1 : i32
        %sub3A_438 = arith.subi %sub3A, %rem3A_204 : i32
        %dma_start3A_439 = arith.constant 0 : i32
        %dma_start3A_440 = arith.constant 0 : i32
        %dma_start3A_441 = arith.constant 0 : i32
        %dma_start3A_442 = tpu.memref_slice %arg10[%dma_start3A_439, %dma_start3A_440, %dma_start3A_441] : memref<5x128x64xf32, #tpu.memory_space<vmem>> -> memref<1x128x64xf32, #tpu.memory_space<vmem>>
        %dma_start3A_443 = tpu.memref_squeeze %dma_start3A_442 : memref<1x128x64xf32, #tpu.memory_space<vmem>> -> memref<128x64xf32, #tpu.memory_space<vmem>>
        %dma_start3A_444 = arith.constant 0 : i32
        %dma_start3A_445 = tpu.memref_slice %arg8[%sub3A_438, %dma_start3A_444] : memref<2x640xi32, #tpu.memory_space<vmem>> -> memref<1x128xi32, #tpu.memory_space<vmem>>
        %dma_start3A_446 = tpu.memref_squeeze %dma_start3A_445 : memref<1x128xi32, #tpu.memory_space<vmem>> -> memref<128xi32, #tpu.memory_space<vmem>>
        %dma_start3A_447 = arith.constant 0 : i32
        %dma_start3A_448 = arith.constant 0 : i32
        %dma_start3A_449 = tpu.memref_slice %arg2[%dma_start3A_447, %dma_start3A_448] : memref<1000002x64xf32, #tpu.memory_space<hbm>> -> memref<1000002x64xf32, #tpu.memory_space<hbm>>
        tpu.enqueue_indirect_dma source(%dma_start3A_449 : memref<1000002x64xf32, #tpu.memory_space<hbm>>) target(%dma_start3A_443 : memref<128x64xf32, #tpu.memory_space<vmem>>) offsets(%dma_start3A_446 : memref<128xi32, #tpu.memory_space<vmem>>) semaphore(%arg13 : memref<!tpu.dma_semaphore, #tpu.memory_space<semaphore_mem>>)
        %dma_wait3A_450 = arith.constant 1 : i32
        %dma_wait3A_451 = arith.constant 0 : i32
        %dma_wait3A_452 = arith.constant 0 : i32
        %dma_wait3A_453 = tpu.memref_slice %arg10[%dma_wait3A_450, %dma_wait3A_451, %dma_wait3A_452] : memref<5x128x64xf32, #tpu.memory_space<vmem>> -> memref<1x128x64xf32, #tpu.memory_space<vmem>>
        %dma_wait3A_454 = tpu.memref_squeeze %dma_wait3A_453 : memref<1x128x64xf32, #tpu.memory_space<vmem>> -> memref<128x64xf32, #tpu.memory_space<vmem>>
        %dma_wait3A_455 = arith.constant 0 : i32
        %dma_wait3A_456 = arith.constant 0 : i32
        %dma_wait3A_457 = tpu.memref_slice %arg7[%dma_wait3A_455, %dma_wait3A_456] : memref<819200x64xf32, #tpu.memory_space<hbm>> -> memref<128x64xf32, #tpu.memory_space<hbm>>
        %dma_wait3A_458 = arith.constant 0 : i32
        %dma_wait3A_459 = arith.constant 0 : i32
        %dma_wait3A_460 = tpu.memref_slice %arg7[%dma_wait3A_458, %dma_wait3A_459] : memref<819200x64xf32, #tpu.memory_space<hbm>> -> memref<128x64xf32, #tpu.memory_space<hbm>>
        %dma_wait3A_461 = arith.constant 0 : i32
        %dma_wait3A_462 = arith.constant 0 : i32
        %dma_wait3A_463 = tpu.memref_slice %arg10[%dma_wait3A_450, %dma_wait3A_461, %dma_wait3A_462] : memref<5x128x64xf32, #tpu.memory_space<vmem>> -> memref<1x128x64xf32, #tpu.memory_space<vmem>>
        %dma_wait3A_464 = tpu.memref_squeeze %dma_wait3A_463 : memref<1x128x64xf32, #tpu.memory_space<vmem>> -> memref<128x64xf32, #tpu.memory_space<vmem>>
        tpu.wait_dma2 semaphore(%arg19 : memref<!tpu.dma_semaphore, #tpu.memory_space<semaphore_mem>>) src(%dma_wait3A_464 : memref<128x64xf32, #tpu.memory_space<vmem>>) dst(%dma_wait3A_460 : memref<128x64xf32, #tpu.memory_space<hbm>>)
        %sub3A_465 = arith.constant 1 : i32
        %sub3A_466 = arith.subi %sub3A_465, %rem3A_204 : i32
        %dma_start3A_467 = arith.constant 1 : i32
        %dma_start3A_468 = arith.constant 0 : i32
        %dma_start3A_469 = arith.constant 0 : i32
        %dma_start3A_470 = tpu.memref_slice %arg10[%dma_start3A_467, %dma_start3A_468, %dma_start3A_469] : memref<5x128x64xf32, #tpu.memory_space<vmem>> -> memref<1x128x64xf32, #tpu.memory_space<vmem>>
        %dma_start3A_471 = tpu.memref_squeeze %dma_start3A_470 : memref<1x128x64xf32, #tpu.memory_space<vmem>> -> memref<128x64xf32, #tpu.memory_space<vmem>>
        %dma_start3A_472 = arith.constant 128 : i32
        %dma_start3A_473 = tpu.memref_slice %arg8[%sub3A_466, %dma_start3A_472] : memref<2x640xi32, #tpu.memory_space<vmem>> -> memref<1x128xi32, #tpu.memory_space<vmem>>
        %dma_start3A_474 = tpu.memref_squeeze %dma_start3A_473 : memref<1x128xi32, #tpu.memory_space<vmem>> -> memref<128xi32, #tpu.memory_space<vmem>>
        %dma_start3A_475 = arith.constant 0 : i32
        %dma_start3A_476 = arith.constant 0 : i32
        %dma_start3A_477 = tpu.memref_slice %arg2[%dma_start3A_475, %dma_start3A_476] : memref<1000002x64xf32, #tpu.memory_space<hbm>> -> memref<1000002x64xf32, #tpu.memory_space<hbm>>
        tpu.enqueue_indirect_dma source(%dma_start3A_477 : memref<1000002x64xf32, #tpu.memory_space<hbm>>) target(%dma_start3A_471 : memref<128x64xf32, #tpu.memory_space<vmem>>) offsets(%dma_start3A_474 : memref<128xi32, #tpu.memory_space<vmem>>) semaphore(%arg14 : memref<!tpu.dma_semaphore, #tpu.memory_space<semaphore_mem>>)
        %dma_wait3A_478 = arith.constant 2 : i32
        %dma_wait3A_479 = arith.constant 0 : i32
        %dma_wait3A_480 = arith.constant 0 : i32
        %dma_wait3A_481 = tpu.memref_slice %arg10[%dma_wait3A_478, %dma_wait3A_479, %dma_wait3A_480] : memref<5x128x64xf32, #tpu.memory_space<vmem>> -> memref<1x128x64xf32, #tpu.memory_space<vmem>>
        %dma_wait3A_482 = tpu.memref_squeeze %dma_wait3A_481 : memref<1x128x64xf32, #tpu.memory_space<vmem>> -> memref<128x64xf32, #tpu.memory_space<vmem>>
        %dma_wait3A_483 = arith.constant 0 : i32
        %dma_wait3A_484 = arith.constant 0 : i32
        %dma_wait3A_485 = tpu.memref_slice %arg7[%dma_wait3A_483, %dma_wait3A_484] : memref<819200x64xf32, #tpu.memory_space<hbm>> -> memref<128x64xf32, #tpu.memory_space<hbm>>
        %dma_wait3A_486 = arith.constant 0 : i32
        %dma_wait3A_487 = arith.constant 0 : i32
        %dma_wait3A_488 = tpu.memref_slice %arg7[%dma_wait3A_486, %dma_wait3A_487] : memref<819200x64xf32, #tpu.memory_space<hbm>> -> memref<128x64xf32, #tpu.memory_space<hbm>>
        %dma_wait3A_489 = arith.constant 0 : i32
        %dma_wait3A_490 = arith.constant 0 : i32
        %dma_wait3A_491 = tpu.memref_slice %arg10[%dma_wait3A_478, %dma_wait3A_489, %dma_wait3A_490] : memref<5x128x64xf32, #tpu.memory_space<vmem>> -> memref<1x128x64xf32, #tpu.memory_space<vmem>>
        %dma_wait3A_492 = tpu.memref_squeeze %dma_wait3A_491 : memref<1x128x64xf32, #tpu.memory_space<vmem>> -> memref<128x64xf32, #tpu.memory_space<vmem>>
        tpu.wait_dma2 semaphore(%arg20 : memref<!tpu.dma_semaphore, #tpu.memory_space<semaphore_mem>>) src(%dma_wait3A_492 : memref<128x64xf32, #tpu.memory_space<vmem>>) dst(%dma_wait3A_488 : memref<128x64xf32, #tpu.memory_space<hbm>>)
        %sub3A_493 = arith.constant 1 : i32
        %sub3A_494 = arith.subi %sub3A_493, %rem3A_204 : i32
        %dma_start3A_495 = arith.constant 2 : i32
        %dma_start3A_496 = arith.constant 0 : i32
        %dma_start3A_497 = arith.constant 0 : i32
        %dma_start3A_498 = tpu.memref_slice %arg10[%dma_start3A_495, %dma_start3A_496, %dma_start3A_497] : memref<5x128x64xf32, #tpu.memory_space<vmem>> -> memref<1x128x64xf32, #tpu.memory_space<vmem>>
        %dma_start3A_499 = tpu.memref_squeeze %dma_start3A_498 : memref<1x128x64xf32, #tpu.memory_space<vmem>> -> memref<128x64xf32, #tpu.memory_space<vmem>>
        %dma_start3A_500 = arith.constant 256 : i32
        %dma_start3A_501 = tpu.memref_slice %arg8[%sub3A_494, %dma_start3A_500] : memref<2x640xi32, #tpu.memory_space<vmem>> -> memref<1x128xi32, #tpu.memory_space<vmem>>
        %dma_start3A_502 = tpu.memref_squeeze %dma_start3A_501 : memref<1x128xi32, #tpu.memory_space<vmem>> -> memref<128xi32, #tpu.memory_space<vmem>>
        %dma_start3A_503 = arith.constant 0 : i32
        %dma_start3A_504 = arith.constant 0 : i32
        %dma_start3A_505 = tpu.memref_slice %arg2[%dma_start3A_503, %dma_start3A_504] : memref<1000002x64xf32, #tpu.memory_space<hbm>> -> memref<1000002x64xf32, #tpu.memory_space<hbm>>
        tpu.enqueue_indirect_dma source(%dma_start3A_505 : memref<1000002x64xf32, #tpu.memory_space<hbm>>) target(%dma_start3A_499 : memref<128x64xf32, #tpu.memory_space<vmem>>) offsets(%dma_start3A_502 : memref<128xi32, #tpu.memory_space<vmem>>) semaphore(%arg15 : memref<!tpu.dma_semaphore, #tpu.memory_space<semaphore_mem>>)
        %dma_wait3A_506 = arith.constant 3 : i32
        %dma_wait3A_507 = arith.constant 0 : i32
        %dma_wait3A_508 = arith.constant 0 : i32
        %dma_wait3A_509 = tpu.memref_slice %arg10[%dma_wait3A_506, %dma_wait3A_507, %dma_wait3A_508] : memref<5x128x64xf32, #tpu.memory_space<vmem>> -> memref<1x128x64xf32, #tpu.memory_space<vmem>>
        %dma_wait3A_510 = tpu.memref_squeeze %dma_wait3A_509 : memref<1x128x64xf32, #tpu.memory_space<vmem>> -> memref<128x64xf32, #tpu.memory_space<vmem>>
        %dma_wait3A_511 = arith.constant 0 : i32
        %dma_wait3A_512 = arith.constant 0 : i32
        %dma_wait3A_513 = tpu.memref_slice %arg7[%dma_wait3A_511, %dma_wait3A_512] : memref<819200x64xf32, #tpu.memory_space<hbm>> -> memref<128x64xf32, #tpu.memory_space<hbm>>
        %dma_wait3A_514 = arith.constant 0 : i32
        %dma_wait3A_515 = arith.constant 0 : i32
        %dma_wait3A_516 = tpu.memref_slice %arg7[%dma_wait3A_514, %dma_wait3A_515] : memref<819200x64xf32, #tpu.memory_space<hbm>> -> memref<128x64xf32, #tpu.memory_space<hbm>>
        %dma_wait3A_517 = arith.constant 0 : i32
        %dma_wait3A_518 = arith.constant 0 : i32
        %dma_wait3A_519 = tpu.memref_slice %arg10[%dma_wait3A_506, %dma_wait3A_517, %dma_wait3A_518] : memref<5x128x64xf32, #tpu.memory_space<vmem>> -> memref<1x128x64xf32, #tpu.memory_space<vmem>>
        %dma_wait3A_520 = tpu.memref_squeeze %dma_wait3A_519 : memref<1x128x64xf32, #tpu.memory_space<vmem>> -> memref<128x64xf32, #tpu.memory_space<vmem>>
        tpu.wait_dma2 semaphore(%arg21 : memref<!tpu.dma_semaphore, #tpu.memory_space<semaphore_mem>>) src(%dma_wait3A_520 : memref<128x64xf32, #tpu.memory_space<vmem>>) dst(%dma_wait3A_516 : memref<128x64xf32, #tpu.memory_space<hbm>>)
        %sub3A_521 = arith.constant 1 : i32
        %sub3A_522 = arith.subi %sub3A_521, %rem3A_204 : i32
        %dma_start3A_523 = arith.constant 3 : i32
        %dma_start3A_524 = arith.constant 0 : i32
        %dma_start3A_525 = arith.constant 0 : i32
        %dma_start3A_526 = tpu.memref_slice %arg10[%dma_start3A_523, %dma_start3A_524, %dma_start3A_525] : memref<5x128x64xf32, #tpu.memory_space<vmem>> -> memref<1x128x64xf32, #tpu.memory_space<vmem>>
        %dma_start3A_527 = tpu.memref_squeeze %dma_start3A_526 : memref<1x128x64xf32, #tpu.memory_space<vmem>> -> memref<128x64xf32, #tpu.memory_space<vmem>>
        %dma_start3A_528 = arith.constant 384 : i32
        %dma_start3A_529 = tpu.memref_slice %arg8[%sub3A_522, %dma_start3A_528] : memref<2x640xi32, #tpu.memory_space<vmem>> -> memref<1x128xi32, #tpu.memory_space<vmem>>
        %dma_start3A_530 = tpu.memref_squeeze %dma_start3A_529 : memref<1x128xi32, #tpu.memory_space<vmem>> -> memref<128xi32, #tpu.memory_space<vmem>>
        %dma_start3A_531 = arith.constant 0 : i32
        %dma_start3A_532 = arith.constant 0 : i32
        %dma_start3A_533 = tpu.memref_slice %arg2[%dma_start3A_531, %dma_start3A_532] : memref<1000002x64xf32, #tpu.memory_space<hbm>> -> memref<1000002x64xf32, #tpu.memory_space<hbm>>
        tpu.enqueue_indirect_dma source(%dma_start3A_533 : memref<1000002x64xf32, #tpu.memory_space<hbm>>) target(%dma_start3A_527 : memref<128x64xf32, #tpu.memory_space<vmem>>) offsets(%dma_start3A_530 : memref<128xi32, #tpu.memory_space<vmem>>) semaphore(%arg16 : memref<!tpu.dma_semaphore, #tpu.memory_space<semaphore_mem>>)
        %dma_wait3A_534 = arith.constant 4 : i32
        %dma_wait3A_535 = arith.constant 0 : i32
        %dma_wait3A_536 = arith.constant 0 : i32
        %dma_wait3A_537 = tpu.memref_slice %arg10[%dma_wait3A_534, %dma_wait3A_535, %dma_wait3A_536] : memref<5x128x64xf32, #tpu.memory_space<vmem>> -> memref<1x128x64xf32, #tpu.memory_space<vmem>>
        %dma_wait3A_538 = tpu.memref_squeeze %dma_wait3A_537 : memref<1x128x64xf32, #tpu.memory_space<vmem>> -> memref<128x64xf32, #tpu.memory_space<vmem>>
        %dma_wait3A_539 = arith.constant 0 : i32
        %dma_wait3A_540 = arith.constant 0 : i32
        %dma_wait3A_541 = tpu.memref_slice %arg7[%dma_wait3A_539, %dma_wait3A_540] : memref<819200x64xf32, #tpu.memory_space<hbm>> -> memref<128x64xf32, #tpu.memory_space<hbm>>
        %dma_wait3A_542 = arith.constant 0 : i32
        %dma_wait3A_543 = arith.constant 0 : i32
        %dma_wait3A_544 = tpu.memref_slice %arg7[%dma_wait3A_542, %dma_wait3A_543] : memref<819200x64xf32, #tpu.memory_space<hbm>> -> memref<128x64xf32, #tpu.memory_space<hbm>>
        %dma_wait3A_545 = arith.constant 0 : i32
        %dma_wait3A_546 = arith.constant 0 : i32
        %dma_wait3A_547 = tpu.memref_slice %arg10[%dma_wait3A_534, %dma_wait3A_545, %dma_wait3A_546] : memref<5x128x64xf32, #tpu.memory_space<vmem>> -> memref<1x128x64xf32, #tpu.memory_space<vmem>>
        %dma_wait3A_548 = tpu.memref_squeeze %dma_wait3A_547 : memref<1x128x64xf32, #tpu.memory_space<vmem>> -> memref<128x64xf32, #tpu.memory_space<vmem>>
        tpu.wait_dma2 semaphore(%arg22 : memref<!tpu.dma_semaphore, #tpu.memory_space<semaphore_mem>>) src(%dma_wait3A_548 : memref<128x64xf32, #tpu.memory_space<vmem>>) dst(%dma_wait3A_544 : memref<128x64xf32, #tpu.memory_space<hbm>>)
        %sub3A_549 = arith.constant 1 : i32
        %sub3A_550 = arith.subi %sub3A_549, %rem3A_204 : i32
        %dma_start3A_551 = arith.constant 4 : i32
        %dma_start3A_552 = arith.constant 0 : i32
        %dma_start3A_553 = arith.constant 0 : i32
        %dma_start3A_554 = tpu.memref_slice %arg10[%dma_start3A_551, %dma_start3A_552, %dma_start3A_553] : memref<5x128x64xf32, #tpu.memory_space<vmem>> -> memref<1x128x64xf32, #tpu.memory_space<vmem>>
        %dma_start3A_555 = tpu.memref_squeeze %dma_start3A_554 : memref<1x128x64xf32, #tpu.memory_space<vmem>> -> memref<128x64xf32, #tpu.memory_space<vmem>>
        %dma_start3A_556 = arith.constant 512 : i32
        %dma_start3A_557 = tpu.memref_slice %arg8[%sub3A_550, %dma_start3A_556] : memref<2x640xi32, #tpu.memory_space<vmem>> -> memref<1x128xi32, #tpu.memory_space<vmem>>
        %dma_start3A_558 = tpu.memref_squeeze %dma_start3A_557 : memref<1x128xi32, #tpu.memory_space<vmem>> -> memref<128xi32, #tpu.memory_space<vmem>>
        %dma_start3A_559 = arith.constant 0 : i32
        %dma_start3A_560 = arith.constant 0 : i32
        %dma_start3A_561 = tpu.memref_slice %arg2[%dma_start3A_559, %dma_start3A_560] : memref<1000002x64xf32, #tpu.memory_space<hbm>> -> memref<1000002x64xf32, #tpu.memory_space<hbm>>
        tpu.enqueue_indirect_dma source(%dma_start3A_561 : memref<1000002x64xf32, #tpu.memory_space<hbm>>) target(%dma_start3A_555 : memref<128x64xf32, #tpu.memory_space<vmem>>) offsets(%dma_start3A_558 : memref<128xi32, #tpu.memory_space<vmem>>) semaphore(%arg17 : memref<!tpu.dma_semaphore, #tpu.memory_space<semaphore_mem>>)
      } else {
      }
    }
    %scan3A_127 = arith.constant 40 : i32
    %dma_wait3A_128 = arith.constant 0 : i32
    %dma_wait3A_129 = arith.constant 0 : i32
    %dma_wait3A_130 = arith.constant 0 : i32
    %dma_wait3A_131 = tpu.memref_slice %arg10[%dma_wait3A_128, %dma_wait3A_129, %dma_wait3A_130] : memref<5x128x64xf32, #tpu.memory_space<vmem>> -> memref<1x128x64xf32, #tpu.memory_space<vmem>>
    %dma_wait3A_132 = tpu.memref_squeeze %dma_wait3A_131 : memref<1x128x64xf32, #tpu.memory_space<vmem>> -> memref<128x64xf32, #tpu.memory_space<vmem>>
    %dma_wait3A_133 = arith.constant 0 : i32
    %dma_wait3A_134 = arith.constant 0 : i32
    %dma_wait3A_135 = tpu.memref_slice %arg7[%dma_wait3A_133, %dma_wait3A_134] : memref<819200x64xf32, #tpu.memory_space<hbm>> -> memref<128x64xf32, #tpu.memory_space<hbm>>
    %dma_wait3A_136 = arith.constant 0 : i32
    %dma_wait3A_137 = arith.constant 0 : i32
    %dma_wait3A_138 = tpu.memref_slice %arg7[%dma_wait3A_136, %dma_wait3A_137] : memref<819200x64xf32, #tpu.memory_space<hbm>> -> memref<128x64xf32, #tpu.memory_space<hbm>>
    %dma_wait3A_139 = arith.constant 0 : i32
    %dma_wait3A_140 = arith.constant 0 : i32
    %dma_wait3A_141 = tpu.memref_slice %arg10[%dma_wait3A_128, %dma_wait3A_139, %dma_wait3A_140] : memref<5x128x64xf32, #tpu.memory_space<vmem>> -> memref<1x128x64xf32, #tpu.memory_space<vmem>>
    %dma_wait3A_142 = tpu.memref_squeeze %dma_wait3A_141 : memref<1x128x64xf32, #tpu.memory_space<vmem>> -> memref<128x64xf32, #tpu.memory_space<vmem>>
    tpu.wait_dma2 semaphore(%arg18 : memref<!tpu.dma_semaphore, #tpu.memory_space<semaphore_mem>>) src(%dma_wait3A_142 : memref<128x64xf32, #tpu.memory_space<vmem>>) dst(%dma_wait3A_138 : memref<128x64xf32, #tpu.memory_space<hbm>>)
    %dma_wait3A_143 = arith.constant 1 : i32
    %dma_wait3A_144 = arith.constant 0 : i32
    %dma_wait3A_145 = arith.constant 0 : i32
    %dma_wait3A_146 = tpu.memref_slice %arg10[%dma_wait3A_143, %dma_wait3A_144, %dma_wait3A_145] : memref<5x128x64xf32, #tpu.memory_space<vmem>> -> memref<1x128x64xf32, #tpu.memory_space<vmem>>
    %dma_wait3A_147 = tpu.memref_squeeze %dma_wait3A_146 : memref<1x128x64xf32, #tpu.memory_space<vmem>> -> memref<128x64xf32, #tpu.memory_space<vmem>>
    %dma_wait3A_148 = arith.constant 0 : i32
    %dma_wait3A_149 = arith.constant 0 : i32
    %dma_wait3A_150 = tpu.memref_slice %arg7[%dma_wait3A_148, %dma_wait3A_149] : memref<819200x64xf32, #tpu.memory_space<hbm>> -> memref<128x64xf32, #tpu.memory_space<hbm>>
    %dma_wait3A_151 = arith.constant 0 : i32
    %dma_wait3A_152 = arith.constant 0 : i32
    %dma_wait3A_153 = tpu.memref_slice %arg7[%dma_wait3A_151, %dma_wait3A_152] : memref<819200x64xf32, #tpu.memory_space<hbm>> -> memref<128x64xf32, #tpu.memory_space<hbm>>
    %dma_wait3A_154 = arith.constant 0 : i32
    %dma_wait3A_155 = arith.constant 0 : i32
    %dma_wait3A_156 = tpu.memref_slice %arg10[%dma_wait3A_143, %dma_wait3A_154, %dma_wait3A_155] : memref<5x128x64xf32, #tpu.memory_space<vmem>> -> memref<1x128x64xf32, #tpu.memory_space<vmem>>
    %dma_wait3A_157 = tpu.memref_squeeze %dma_wait3A_156 : memref<1x128x64xf32, #tpu.memory_space<vmem>> -> memref<128x64xf32, #tpu.memory_space<vmem>>
    tpu.wait_dma2 semaphore(%arg19 : memref<!tpu.dma_semaphore, #tpu.memory_space<semaphore_mem>>) src(%dma_wait3A_157 : memref<128x64xf32, #tpu.memory_space<vmem>>) dst(%dma_wait3A_153 : memref<128x64xf32, #tpu.memory_space<hbm>>)
    %dma_wait3A_158 = arith.constant 2 : i32
    %dma_wait3A_159 = arith.constant 0 : i32
    %dma_wait3A_160 = arith.constant 0 : i32
    %dma_wait3A_161 = tpu.memref_slice %arg10[%dma_wait3A_158, %dma_wait3A_159, %dma_wait3A_160] : memref<5x128x64xf32, #tpu.memory_space<vmem>> -> memref<1x128x64xf32, #tpu.memory_space<vmem>>
    %dma_wait3A_162 = tpu.memref_squeeze %dma_wait3A_161 : memref<1x128x64xf32, #tpu.memory_space<vmem>> -> memref<128x64xf32, #tpu.memory_space<vmem>>
    %dma_wait3A_163 = arith.constant 0 : i32
    %dma_wait3A_164 = arith.constant 0 : i32
    %dma_wait3A_165 = tpu.memref_slice %arg7[%dma_wait3A_163, %dma_wait3A_164] : memref<819200x64xf32, #tpu.memory_space<hbm>> -> memref<128x64xf32, #tpu.memory_space<hbm>>
    %dma_wait3A_166 = arith.constant 0 : i32
    %dma_wait3A_167 = arith.constant 0 : i32
    %dma_wait3A_168 = tpu.memref_slice %arg7[%dma_wait3A_166, %dma_wait3A_167] : memref<819200x64xf32, #tpu.memory_space<hbm>> -> memref<128x64xf32, #tpu.memory_space<hbm>>
    %dma_wait3A_169 = arith.constant 0 : i32
    %dma_wait3A_170 = arith.constant 0 : i32
    %dma_wait3A_171 = tpu.memref_slice %arg10[%dma_wait3A_158, %dma_wait3A_169, %dma_wait3A_170] : memref<5x128x64xf32, #tpu.memory_space<vmem>> -> memref<1x128x64xf32, #tpu.memory_space<vmem>>
    %dma_wait3A_172 = tpu.memref_squeeze %dma_wait3A_171 : memref<1x128x64xf32, #tpu.memory_space<vmem>> -> memref<128x64xf32, #tpu.memory_space<vmem>>
    tpu.wait_dma2 semaphore(%arg20 : memref<!tpu.dma_semaphore, #tpu.memory_space<semaphore_mem>>) src(%dma_wait3A_172 : memref<128x64xf32, #tpu.memory_space<vmem>>) dst(%dma_wait3A_168 : memref<128x64xf32, #tpu.memory_space<hbm>>)
    %dma_wait3A_173 = arith.constant 3 : i32
    %dma_wait3A_174 = arith.constant 0 : i32
    %dma_wait3A_175 = arith.constant 0 : i32
    %dma_wait3A_176 = tpu.memref_slice %arg10[%dma_wait3A_173, %dma_wait3A_174, %dma_wait3A_175] : memref<5x128x64xf32, #tpu.memory_space<vmem>> -> memref<1x128x64xf32, #tpu.memory_space<vmem>>
    %dma_wait3A_177 = tpu.memref_squeeze %dma_wait3A_176 : memref<1x128x64xf32, #tpu.memory_space<vmem>> -> memref<128x64xf32, #tpu.memory_space<vmem>>
    %dma_wait3A_178 = arith.constant 0 : i32
    %dma_wait3A_179 = arith.constant 0 : i32
    %dma_wait3A_180 = tpu.memref_slice %arg7[%dma_wait3A_178, %dma_wait3A_179] : memref<819200x64xf32, #tpu.memory_space<hbm>> -> memref<128x64xf32, #tpu.memory_space<hbm>>
    %dma_wait3A_181 = arith.constant 0 : i32
    %dma_wait3A_182 = arith.constant 0 : i32
    %dma_wait3A_183 = tpu.memref_slice %arg7[%dma_wait3A_181, %dma_wait3A_182] : memref<819200x64xf32, #tpu.memory_space<hbm>> -> memref<128x64xf32, #tpu.memory_space<hbm>>
    %dma_wait3A_184 = arith.constant 0 : i32
    %dma_wait3A_185 = arith.constant 0 : i32
    %dma_wait3A_186 = tpu.memref_slice %arg10[%dma_wait3A_173, %dma_wait3A_184, %dma_wait3A_185] : memref<5x128x64xf32, #tpu.memory_space<vmem>> -> memref<1x128x64xf32, #tpu.memory_space<vmem>>
    %dma_wait3A_187 = tpu.memref_squeeze %dma_wait3A_186 : memref<1x128x64xf32, #tpu.memory_space<vmem>> -> memref<128x64xf32, #tpu.memory_space<vmem>>
    tpu.wait_dma2 semaphore(%arg21 : memref<!tpu.dma_semaphore, #tpu.memory_space<semaphore_mem>>) src(%dma_wait3A_187 : memref<128x64xf32, #tpu.memory_space<vmem>>) dst(%dma_wait3A_183 : memref<128x64xf32, #tpu.memory_space<hbm>>)
    %dma_wait3A_188 = arith.constant 4 : i32
    %dma_wait3A_189 = arith.constant 0 : i32
    %dma_wait3A_190 = arith.constant 0 : i32
    %dma_wait3A_191 = tpu.memref_slice %arg10[%dma_wait3A_188, %dma_wait3A_189, %dma_wait3A_190] : memref<5x128x64xf32, #tpu.memory_space<vmem>> -> memref<1x128x64xf32, #tpu.memory_space<vmem>>
    %dma_wait3A_192 = tpu.memref_squeeze %dma_wait3A_191 : memref<1x128x64xf32, #tpu.memory_space<vmem>> -> memref<128x64xf32, #tpu.memory_space<vmem>>
    %dma_wait3A_193 = arith.constant 0 : i32
    %dma_wait3A_194 = arith.constant 0 : i32
    %dma_wait3A_195 = tpu.memref_slice %arg7[%dma_wait3A_193, %dma_wait3A_194] : memref<819200x64xf32, #tpu.memory_space<hbm>> -> memref<128x64xf32, #tpu.memory_space<hbm>>
    %dma_wait3A_196 = arith.constant 0 : i32
    %dma_wait3A_197 = arith.constant 0 : i32
    %dma_wait3A_198 = tpu.memref_slice %arg7[%dma_wait3A_196, %dma_wait3A_197] : memref<819200x64xf32, #tpu.memory_space<hbm>> -> memref<128x64xf32, #tpu.memory_space<hbm>>
    %dma_wait3A_199 = arith.constant 0 : i32
    %dma_wait3A_200 = arith.constant 0 : i32
    %dma_wait3A_201 = tpu.memref_slice %arg10[%dma_wait3A_188, %dma_wait3A_199, %dma_wait3A_200] : memref<5x128x64xf32, #tpu.memory_space<vmem>> -> memref<1x128x64xf32, #tpu.memory_space<vmem>>
    %dma_wait3A_202 = tpu.memref_squeeze %dma_wait3A_201 : memref<1x128x64xf32, #tpu.memory_space<vmem>> -> memref<128x64xf32, #tpu.memory_space<vmem>>
    tpu.wait_dma2 semaphore(%arg22 : memref<!tpu.dma_semaphore, #tpu.memory_space<semaphore_mem>>) src(%dma_wait3A_202 : memref<128x64xf32, #tpu.memory_space<vmem>>) dst(%dma_wait3A_198 : memref<128x64xf32, #tpu.memory_space<hbm>>)
    return
  }
}

</mosaic_0001>

<sc_bundles>
// kernel: kernel.3.cloned.1.call-start
scs
__scs_entry_jumppad:
0x0: {  	(pc) =	sbr.rel $0x88, $3  }
0x1: {  	(tag) =	ssettag $0x0;
	lr =	simm.s32 $0x1  }
0x2: {  	[smem:$0x3F9B] =	sst lr;
	_ =	strace $0xD0000000  }
0x3: {  	_ = 	snop  }
0x4: {  	_ = 	snop  }
0x5: {  	_ = 	snop  }
0x6: {  	_ = 	snop  }
0x7: {  	_ = 	snop  }
__scs_overlays_trampoline_lowered:
0x8: {  	[smem:$0x3FAA] =	sst s0  }
0x9: {  	[smem:$0x3FAB] =	sst s1  }
0xa: {  	[smem:$0x3FAC] =	sst s2  }
0xb: {  	[smem:$0x3FAD] =	sst s3  }
0xc: {  	[smem:$0x3FAE] =	sst s4  }
0xd: {  	[smem:$0x3FAF] =	sst s5  }
0xe: {  	[smem:$0x3FB0] =	sst s6  }
0xf: {  	[smem:$0x3FB1] =	sst s7  }
0x10: {  	[smem:$0x3FB2] =	sst s8  }
0x11: {  	[smem:$0x3FB3] =	sst s9;
	s0 =	simm.s32 @!p0 $0x0  }
0x12: {  	s1 =	sld [smem:$0x3F99];
	s0 =	simm.s32 @p0 $0x1  }
0x13: {  	[smem:$0x3FB4] =	sst s0;
	s0 =	simm.s32 @!p1 $0x0  }
0x14: {  	s2 =	sld [smem:$0x3F98];
	s0 =	simm.s32 @p1 $0x1  }
0x15: {  	[smem:$0x3FB5] =	sst s0;
	s0 =	simm.s32 @!p2 $0x0  }
0x16: {  	s3 =	sld [smem:$0x3FDB];
	s0 =	simm.s32 @p2 $0x1  }
0x17: {  	s4 =	simm.s32 $0x1BF5;
	[smem:$0x3FB7] =	sst s0  }
0x18: {  	s0 =	sld [smem:$0x3F9A];
	_ =	swait.ge [sflag:s4], $0x0  }
0x19: {  	s7 =	sld [smem:$0x3F9B]  }
0x1a: {  	s8 =	sadd.s32 $0xFFFFE003, lr  }
0x1b: {  	s9 =	sadd.s32 $0xFFFFFEF7, lr;
	s5 =	simm.s32 $0xFFFFFFFF;
	p2 =	slt.u32 s8, $0xFFFFF086  }
0x1c: {  	p1 =	slt.u32 s9, $0xF7A;
	s5 =	simm.s32 @!p2 $0x0  }
0x1d: {  	s5 =	simm.s32 @p1 $0x1;
	p0 =	seq.s32 s7, s2  }
0x1e: {  	s7 =	smul.u32 @!p0 $0xF7A, s2;
	p2 =	seq.s32 @!p0 s5, $0x0  }
0x1f: {  	s9 =	smul.u32 $0xF7A, s1;
	s8 =	simm.s32 @!p0 $0x1BF5;
	p2 =	por !p2, p0  }
0x20: {  	[sflag:s8] =	ssyncset.s32 @!p0 $0xFFFFF086;
	s6 =	sadd.s32 @!p0 s3, s7;
	s7 =	simm.s32 @!p0 $0x108  }
0x21: {  	s3 =	sadd.s32 s3, s9;
	s6 =	sadd.s32 @!p0 $0x88, s6;
	s7 =	simm.s32 @p2 $0x1082  }
0x22: {  	[simem:s7], [sflag:s8] =	dma.local @!p0 [hbm:s6], $0xF7A  }
0x23: {  	s9 =	sor.u32 $0xD0000000, s2;
	s6 =	simm.s32 $0x108;
	_ =	swait.ge @!p0 [sflag:s8], $0x0  }
0x24: {  	s3 =	sadd.s32 $0x88, s3;
	s6 =	simm.s32 @!p1 $0x1082;
	[sflag:s4] =	ssyncset.s32 $0xFFFFF086  }
0x25: {  	[simem:s6], [sflag:s4] =	dma.local [hbm:s3], $0xF7A  }
0x26: {  	[smem:$0x3F9B] =	sst s1;
	(tag) =	ssettag s2;
	_ =	strace s9  }
0x27: {  	s1 =	sld [smem:$0x3FAB]  }
0x28: {  	s2 =	sld [smem:$0x3FAC]  }
0x29: {  	s4 =	sld [smem:$0x3FAE]  }
0x2a: {  	p0 =	seq.s32 s5, $0x0;
	s5 =	sld [smem:$0x3FAF]  }
0x2b: {  	s6 =	sld [smem:$0x3FB0]  }
0x2c: {  	s7 =	sld [smem:$0x3FB1]  }
0x2d: {  	s3 =	simm.s32 $0x108;
	s8 =	sld [smem:$0x3FB2]  }
0x2e: {  	s3 =	simm.s32 @!p0 $0x1082;
	s9 =	sld [smem:$0x3FB3]  }
0x2f: {  	lr =	sadd.s32 s0, s3;
	s0 =	sld [smem:$0x3FAA]  }
0x30: {  	s3 =	sld [smem:$0x3FAD]  }
0x31: {  	[smem:$0x3FB6] =	sst s10  }
0x32: {  	s10 =	sld [smem:$0x3FB4];
	_ =	sdelay $0x3  }
0x33: {  	p0 =	seq.s32 s10, $0x1;
	s10 =	sld [smem:$0x3FB6];
	_ =	sdelay $0x3  }
0x34: {  	[smem:$0x3FB6] =	sst s10  }
0x35: {  	s10 =	sld [smem:$0x3FB5];
	_ =	sdelay $0x3  }
0x36: {  	p1 =	seq.s32 s10, $0x1;
	s10 =	sld [smem:$0x3FB6];
	_ =	sdelay $0x3  }
0x37: {  	[smem:$0x3FB6] =	sst s10  }
0x38: {  	s10 =	sld [smem:$0x3FB7]  }
0x39: {  	_ = 	snop;
	(pc) =	sbr.ind lr, $3  }
0x3a: {  	_ = 	snop  }
0x3b: {  	_ = 	snop  }
0x3c: {  	p2 =	seq.s32 s10, $0x1;
	s10 =	sld [smem:$0x3FB6]  }
0x3d: {  	_ =	shalt  }
0x3e: {  	_ =	shalt  }
0x3f: {  	_ =	shalt  }
0x40: {  	_ =	shalt  }
0x41: {  	_ =	shalt  }
0x42: {  	_ =	shalt  }
0x43: {  	_ =	shalt  }
0x44: {  	_ =	shalt  }
0x45: {  	_ =	shalt  }
0x46: {  	_ =	shalt  }
0x47: {  	_ =	shalt  }
0x48: {  	_ =	shalt  }
0x49: {  	_ =	shalt  }
0x4a: {  	_ =	shalt  }
0x4b: {  	_ =	shalt  }
0x4c: {  	_ =	shalt  }
0x4d: {  	_ =	shalt  }
0x4e: {  	_ =	shalt  }
0x4f: {  	_ =	shalt  }
0x50: {  	_ =	shalt  }
0x51: {  	_ =	shalt  }
0x52: {  	_ =	shalt  }
0x53: {  	_ =	shalt  }
0x54: {  	_ =	shalt  }
0x55: {  	_ =	shalt  }
0x56: {  	_ =	shalt  }
0x57: {  	_ =	shalt  }
0x58: {  	_ =	shalt  }
0x59: {  	_ =	shalt  }
0x5a: {  	_ =	shalt  }
0x5b: {  	_ =	shalt  }
0x5c: {  	_ =	shalt  }
0x5d: {  	_ =	shalt  }
0x5e: {  	_ =	shalt  }
0x5f: {  	_ =	shalt  }
0x60: {  	_ =	shalt  }
0x61: {  	_ =	shalt  }
0x62: {  	_ =	shalt  }
0x63: {  	_ =	shalt  }
0x64: {  	_ =	shalt  }
0x65: {  	_ =	shalt  }
0x66: {  	_ =	shalt  }
0x67: {  	_ =	shalt  }
0x68: {  	_ =	shalt  }
0x69: {  	_ =	shalt  }
0x6a: {  	_ =	shalt  }
0x6b: {  	_ =	shalt  }
0x6c: {  	_ =	shalt  }
0x6d: {  	_ =	shalt  }
0x6e: {  	_ =	shalt  }
0x6f: {  	_ =	shalt  }
0x70: {  	_ =	shalt  }
0x71: {  	_ =	shalt  }
0x72: {  	_ =	shalt  }
0x73: {  	_ =	shalt  }
0x74: {  	_ =	shalt  }
0x75: {  	_ =	shalt  }
0x76: {  	_ =	shalt  }
0x77: {  	_ =	shalt  }
0x78: {  	_ =	shalt  }
0x79: {  	_ =	shalt  }
0x7a: {  	_ =	shalt  }
0x7b: {  	_ =	shalt  }
0x7c: {  	_ =	shalt  }
0x7d: {  	_ =	shalt  }
0x7e: {  	_ =	shalt  }
0x7f: {  	_ =	shalt  }
0x80: {  	_ =	shalt  }
0x81: {  	_ =	shalt  }
0x82: {  	_ =	shalt  }
0x83: {  	_ =	shalt  }
0x84: {  	_ =	shalt  }
0x85: {  	_ =	shalt  }
0x86: {  	_ =	shalt  }
0x87: {  	_ =	shalt  }
.Lfunc_end0:
.L_simem_size_0:
called_computation.1_lowered:
.L_overlay_start_0:
0x88: {  	s2 =	sld [smem:$0x3FD9]  }
0x89: {  	s3 =	sld [smem:$0x3FFE];
	_ =	sdelay $0x1  }
0x8a: {  	s1 =	srdreg.scid  }
0x8b: {  	s0 =	sand.u32 $0x1, s1  }
0x8c: {  	s17 =	sshll.u32 s0, $0xA;
	s2 =	sadd.s32 s3, s2  }
0x8d: {  	s2 =	sadd.s32 s2, s17  }
0x8e: {  	[smem:$0x3FC2] =	sst s2  }
0x8f: {  	_ = 	snop  }
0x90: {  	s2 =	sld [smem:$0x3FD0];
	(tm) =	ssettm $0x1  }
0x91: {  	s18 =	sld [smem:$0x3FFB];
	_ =	sdelay $0x3  }
0x92: {  	_ =	strace s18  }
0x93: {  	s3 =	sld [smem:$0x3FFC];
	_ =	sdelay $0x3  }
0x94: {  	_ =	strace s3  }
0x95: {  	s3 =	sld [smem:$0x3FFD];
	_ =	sdelay $0x3  }
0x96: {  	_ =	strace s3  }
0x97: {  	_ =	strace $0x8FFFFFFF  }
0x98: {  	s19 =	sld [smem:$0x3FDB];
	_ =	sdelay $0x1  }
0x99: {  	s4 =	simm.s32 $_scs_section_size  }
0x9a: {  	s5 =	simm.s32 $_size__tile_overlayer_lowered;
	s6 =	simm.s32 $_tile_overlayer_lowered  }
0x9b: {  	s22 =	simm.s32 $0x1BFF;
	s21 =	sshll.u32 s6, $0x1;
	s3 =	sadd.s32 s4, s19  }
0x9c: {  	s7 =	simm.s32 $0x0;
	s20 =	sshll.u32 s5, $0x1;
	s5 =	sadd.s32 s21, s3  }
0x9d: {  	[timem:s7], [sflag:s22] =	dma.local [hbm:s5], s20  }
0x9e: {  	_ =	swait.ge [sflag:s22], s20  }
0x9f: {  	s4 =	ssub.s32 $0x0, s20;
	[sflag:s22] =	ssyncset.done $0x0  }
0xa0: {  	[sflag:s22] =	ssyncadd.s32 s4;
	_ =	sdelay $0x1  }
0xa1: {  	s23 =	simm.s32 $0x1B8B  }
0xa2: {  	_ =	swait.ge [sflag:s23], $0x1  }
0xa3: {  	[sflag:s23] =	ssyncset.done $0x0  }
0xa4: {  	s25 =	simm.s32 $0x1B8E;
	s24 =	sld [smem:$0x3FFE];
	[sflag:s23] =	ssyncadd.s32 $0xFFFFFFFF  }
0xa5: {  	s26 =	simm.s32 $execute0_lowered;
	[smem:$0x3FD2] =	sst s25  }
0xa6: {  	s5 =	sshll.u32 s26, $0x1;
	_ =	strace $0x80000046;
	[dreg:$0x1] =	wrdreg $0xFFFFFFFF  }
0xa7: {  	s28 =	simm.s32 $_size_execute0_lowered;
	s3 =	sadd.s32 s3, s5;
	[dreg:$0x0] =	wrdreg $0x0  }
0xa8: {  	s5 =	sshll.u32 s28, $0x1;
	[dreg:$0x2] =	wrdreg s3  }
0xa9: {  	[dreg:$0x3] =	wrdreg s5  }
0xaa: {  	[dreg:$0x4] =	wrdreg $0xC0  }
0xab: {  	_ =	task [dreg:s7], $0x5FFFF  }
0xac: {  	[dreg:$0x1] =	wrdreg $0xFFFFFFFF  }
0xad: {  	[dreg:$0x0] =	wrdreg $0x60  }
0xae: {  	[dreg:$0x2] =	wrdreg s24  }
0xaf: {  	[dreg:$0x3] =	wrdreg s2  }
0xb0: {  	[dreg:$0x4] =	wrdreg $0x9  }
0xb1: {  	_ =	task.clear_ibuf [dreg:s7], $0x5FFFF;
	_ =	strace $0x90000046  }
0xb2: {  	s29 =	simm.s32 $0x9;
	_ =	strace $0x80000048  }
0xb3: {  	_ =	swait.ge [sflag:s29], $0x1  }
0xb4: {  	[sflag:s29] =	ssyncadd.s32 $0xFFFFFFFF  }
0xb5: {  	_ =	strace $0x90000048  }
0xb6: {  	_ =	sfence  }
0xb7: {  	s30 =	sld [smem:$0x0];
	_ =	sdelay $0x2  }
0xb8: {  	s31 =	sshll.u32 s1, $0xD;
	s1 =	sshrl.u32 s1, $0x2  }
0xb9: {  	s3 =	sand.u32 $0x4000, s31;
	s1 =	sadd.s32 s1, s30  }
0xba: {  	s0 =	sor.u32 s3, s0;
	s1 =	sshll.u32 s1, $0x11  }
0xbb: {  	s0 =	sor.u32 s1, s0  }
0xbc: {  	s0 =	sadd.s32 $0x8F2B, s0  }
0xbd: {  	[sflag:s0] =	ssyncadd.remote.s32 $0x1  }
0xbe: {  	_ =	sfence.sel $0xFFFF  }
0xbf: {  	[dreg:$0x0] =	wrdreg $0xFFFFFFFF;
	(pc) =	sbr.abs _section_cstart, $3  }
0xc0: {  	[dreg:$0x1] =	wrdreg $0xFFFFFFFF  }
0xc1: {  	_ =	task.clear_ibuf [dreg:s7], $0x2FFFF;
	_ =	strace $0x9FFFFFFF  }
0xc2: {  	(tm) =	ssettm $0x7FFFFFFF  }
0xc3: {  	_ =	shalt  }
tec
execute0_lowered:
.L_overlay_start_1:
0x0: {  	(tag) =	ssettag $0x1  }
0x1: {  	s0 =	rddreg [dreg:$0x0]  }
0x2: {  	s7 =	rddreg [dreg:$0x1];
	s3 =	simm.s32 $0x0  }
0x3: {  	s1 =	srdreg.scid;
	s2 =	stileid.u32;
	s20 =	simm.s32 $0xAA00  }
0x4: {  	s29 =	simm.s32 $0xA00;
	s30 =	simm.s32 $0x2A00;
	s31 =	simm.s32 $0x1  }
0x5: {  	s11 =	simm.s32 $0x0;
	[smem:$0x7FF] =	sst s3;
	s1 =	sand.u32 $0x1, s1  }
0x6: {  	s4 =	sshll.u32 s2, $0x1;
	s21 =	sadd.s32 $0x33200, s0;
	s22 =	sadd.s32 $0x35400, s0  }
0x7: {  	s8 =	sadd.s32 $0x1A200, s0;
	s9 =	sadd.s32 $0x1200, s0;
	s14 =	sadd.s32 $0x400, s7  }
0x8: {  	s15 =	sadd.s32 $0x800, s7;
	s16 =	sadd.s32 $0xC00, s7;
	s17 =	sadd.s32 $0x1000, s7  }
0x9: {  	s7 =	simm.s32 $0x5;
	_ =	strace $0x80000047;
	s5 =	sor.u32 s1, s4  }
0xa: {  	s4 =	sadd.s32 $0xF43800, s0;
	[dreg:$0x3] =	wrdreg s21;
	s1 =	ssub.s32 $0x2, s1  }
0xb: {  	[dreg:$0x4] =	wrdreg s22;
	s6 =	smul.u32 $0x6400, s5;
	s23 =	sshrl.u32 s1, $0x1  }
0xc: {  	s22 =	simm.s32 $0x1AC00;
	s0 =	ssub.s32 s1, s23;
	s23 =	simm.s32 $0x6A00  }
0xd: {  	s5 =	sshrl.u32 s6, $0x3;
	s18 =	sadd.s32 $0x500, s6;
	s0 =	smax.u32 s0, $0x1  }
0xe: {  	s24 =	sadd.s32 s8, s5;
	s25 =	sor.u32 $0x50, s5;
	[dreg:$0x9] =	wrdreg s0  }
0xf: {  	v0 =	vlaneseq.u32;
	s26 =	sadd.s32 s9, s5;
	s0 =	simm.s32 $0x4A00;
	[dreg:$0x5] =	wrdreg s24  }
0x10: {  	v1 =	vand.u32 $0x7, v0;
	s5 =	simm.s32 $0x4;
	[dreg:$0x6] =	wrdreg s26;
	s28 =	sadd.s32 s8, s25  }
0x11: {  	v2 =	vmul.u32 $0x40, v0;
	v3 =	vor.u32 $0x2000, v1;
	s1 =	sadd.s32 s9, s25;
	s26 =	simm.s32 $0x8A00;
	[dreg:$0x7] =	wrdreg s28  }
0x12: {  	v4 =	vor.u32 $0x4000, v1;
	v5 =	vor.u32 $0x6000, v1;
	v6 =	vor.u32 $0x8000, v1;
	s25 =	simm.s32 $0x3;
	[dreg:$0x8] =	wrdreg s1;
	s1 =	simm.s32 $0x2  }
.LBB2_1:
0x13: {  	[dreg:$0xa] =	wrdreg s11  }
0x14: {  	s2 =	rddreg [dreg:$0x3];
	s10 =	simm.s32 $0xC  }
0x15: {  	[tilespmem:s20], [sflag:$0xC] =	stream.linear.gather [hbm4b:s2+s3], $0x10200, $0x38;
	[tilespmem:$0x1AE00] =	vst v63  }
0x16: {  	_ =	swait.ge [sflag:s10], $0x10200  }
0x17: {  	[sflag:s10] =	ssyncset.done $0x0  }
0x18: {  	s13 =	rddreg [dreg:$0x4];
	[sflag:s10] =	ssyncadd.s32 $0xFFFEFE00  }
0x19: {  	[tilespmem:s22], [sflag:$0xC] =	stream.linear.gather [hbm4b:s13+s3], $0x200, $0x38;
	[tilespmem:$0x1AE00] =	vst v63  }
0x1a: {  	_ =	swait.ge [sflag:s10], $0x200  }
0x1b: {  	[sflag:s10] =	ssyncset.done $0x0  }
0x1c: {  	s19 =	rddreg [dreg:$0x5];
	[sflag:s10] =	ssyncadd.s32 $0xFFFFFE00  }
0x1d: {  	[tilespmem:s3], [sflag:$0xB] =	stream.linear.gather [hbm4b:s19+s3], $0x280, $0x38;
	[tilespmem:$0x1AE00] =	vst v63  }
0x1e: {  	s24 =	simm.s32 $0x500;
	s28 =	simm.s32 $0xB;
	s21 =	rddreg [dreg:$0x6]  }
0x1f: {  	[tilespmem:s24], [sflag:$0xB] =	stream.linear.gather [hbm4b:s21+s3], $0x280, $0x38;
	[tilespmem:$0x1AE00] =	vst v63  }
0x20: {  	_ =	swait.ge [sflag:s28], $0x280  }
0x21: {  	[sflag:s28] =	ssyncset.done $0x0  }
0x22: {  	[sflag:s28] =	ssyncadd.s32 $0xFFFFFD80  }
0x23: {  	_ =	swait.ge [sflag:s28], $0x280  }
0x24: {  	[sflag:s28] =	ssyncset.done $0x0  }
0x25: {  	s11 =	simm.s32 $0x280;
	s10 =	rddreg [dreg:$0x7];
	[sflag:s28] =	ssyncadd.s32 $0xFFFFFD80  }
0x26: {  	[tilespmem:s11], [sflag:$0xB] =	stream.linear.gather [hbm4b:s10+s3], $0x280, $0x38;
	[tilespmem:$0x1AE00] =	vst v63  }
0x27: {  	s13 =	simm.s32 $0x780;
	s12 =	rddreg [dreg:$0x8]  }
0x28: {  	[tilespmem:s13], [sflag:$0xB] =	stream.linear.gather [hbm4b:s12+s3], $0x280, $0x38;
	[tilespmem:$0x1AE00] =	vst v63  }
0x29: {  	s19 =	simm.s32 $0x80  }
0x2a: {  	[tilespmem:s29], [sflag:$0x1] =	stream.indirect.gather [hbm4b:s4+s19], $0x40, s3, s19, $0xb8;
	[tilespmem:$0x1AE00] =	vst v63  }
0x2b: {  	_ = 	snop  }
0x2c: {  	[tilespmem:s30], [sflag:$0x2] =	stream.indirect.gather [hbm4b:s4+s19], $0x40, s19, s19, $0xb8;
	[tilespmem:$0x1AE00] =	vst v63  }
0x2d: {  	s21 =	simm.s32 $0x100  }
0x2e: {  	[tilespmem:s0], [sflag:$0x3] =	stream.indirect.gather [hbm4b:s4+s19], $0x40, s21, s19, $0xb8;
	[tilespmem:$0x1AE00] =	vst v63  }
0x2f: {  	s24 =	simm.s32 $0x180  }
0x30: {  	[tilespmem:s23], [sflag:$0x4] =	stream.indirect.gather [hbm4b:s4+s19], $0x40, s24, s19, $0xb8;
	[tilespmem:$0x1AE00] =	vst v63  }
0x31: {  	s28 =	simm.s32 $0x200;
	s11 =	simm.s32 $0x0  }
0x32: {  	[tilespmem:s26], [sflag:$0x5] =	stream.indirect.gather [hbm4b:s4+s19], $0x40, s28, s19, $0xb8;
	[tilespmem:$0x1AE00] =	vst v63  }
.LBB2_2:
0x33: {  	s12 =	sand.u32 $0x1, s11  }
0x34: {  	s10 =	smul.u32 $0xA00, s12;
	_ =	sdelay $0x1  }
0x35: {  	_ =	swait.ge [sflag:s31], $0x2000;
	s10 =	sshrl.u32 s10, $0x2  }
0x36: {  	[sflag:s31] =	ssyncset.done $0x0;
	s10 =	sadd.s32 $0x500, s10  }
0x37: {  	s13 =	simm.s32 $0x0;
	s19 =	simm.s32 $0x0;
	[sflag:s31] =	ssyncadd.s32 $0xFFFFE000;
	v7 =	vmov s10  }
.LBB2_3:
0x38: {  	_ =	sdelay $0x2  }
0x39: {  	s10 =	sshll.u32 s19, $0x4  }
0x3a: {  	v8 =	vld.idx.msk [tilespmem:v7+s10+$0x0 ss:$0x1], $0xffff;
	_ =	sdelay $0x4  }
0x3b: {  	v11 =	vmov s10;
	v9 =	vshrl.u32 v8, $0x2  }
0x3c: {  	s28 =	simm.s32 $0x7;
	v10 =	vand.u32 $0x3, v8;
	v8 =	vshll.u32 v11, $0x6;
	v11 =	vadd.s32 s13, v0  }
0x3d: {  	v13 =	vadd.s32 s28, v0;
	v8 =	vor.u32 v2, v8;
	v12 =	vand.u32 $0x3F, v11  }
0x3e: {  	v14 =	vmul.u32 $0x408, v12;
	v15 =	vshll.u32 v12, $0x3;
	v12 =	vand.u32 $0x3F, v13  }
0x3f: {  	s2 =	simm.s32 $0x6;
	v16 =	vor.u32 v10, v15;
	v13 =	vshll.u32 v12, $0x3;
	v15 =	vmul.u32 $0x408, v12  }
0x40: {  	s21 =	simm.s32 $0x5;
	v17 =	vadd.s32 v9, v14;
	v20 =	vor.u32 v10, v13;
	v13 =	vadd.s32 s2, v0  }
0x41: {  	v14 =	vadd.s32 s21, v0;
	v21 =	vadd.s32 v9, v15;
	v15 =	vand.u32 $0x3F, v13  }
0x42: {  	v14 =	vand.u32 $0x3F, v14;
	v18 =	vmul.u32 $0x408, v15;
	v19 =	vshll.u32 v15, $0x3  }
0x43: {  	s21 =	simm.s32 $0x4;
	v22 =	vmul.u32 $0x408, v14;
	v23 =	vor.u32 v10, v19;
	v19 =	vshll.u32 v14, $0x3  }
0x44: {  	s24 =	simm.s32 $0x3;
	v24 =	vadd.s32 s21, v0;
	v16 =	vld.idx.msk [tilespmem:v16+s22+$0x0], $0xffff;
	v31 =	vadd.s32 v9, v18;
	v25 =	vor.u32 v10, v19  }
0x45: {  	v18 =	vand.u32 $0x3F, v24;
	v26 =	vadd.s32 v9, v22;
	v19 =	vld.idx.msk [tilespmem:v17+s20+$0x0], $0xffff;
	v17 =	vadd.s32 s24, v0  }
0x46: {  	v24 =	vmul.u32 $0x408, v18;
	v27 =	vshll.u32 v18, $0x3;
	v20 =	vld.idx.msk [tilespmem:v20+s22+$0x0], $0xffff;
	v17 =	vand.u32 $0x3F, v17  }
0x47: {  	s28 =	simm.s32 $0x2;
	v13 =	vor.u32 v1, v8;
	v28 =	vor.u32 v10, v27;
	v21 =	vld.idx.msk [tilespmem:v21+s20+$0x0], $0xffff;
	v30 =	vmul.u32 $0x408, v17  }
0x48: {  	v27 =	vadd.s32 s28, v0;
	v32 =	vshll.u32 v17, $0x3;
	v29 =	vadd.s32 v9, v24;
	v22 =	vld.idx.msk [tilespmem:v23+s22+$0x0], $0xffff  }
0x49: {  	s21 =	simm.s32 $0x8;
	s24 =	simm.s32 $0x1;
	v23 =	vand.u32 $0x3F, v27;
	v27 =	vadd.s32 v9, v30;
	v30 =	vor.u32 v10, v32;
	v24 =	vld.idx.msk [tilespmem:v31+s20+$0x0], $0xffff  }
.LBB2_4:
0x4a: {  	p0 =	slt.u32 s21, $0x38;
	v31 =	vadd.s32 s24, v0;
	v32 =	vmul.u32 $0x408, v23;
	v33 =	vshll.u32 v23, $0x3;
	v25 =	vld.idx.msk [tilespmem:v25+s22+$0x0], $0xffff  }
0x4b: {  	v31 =	vand.u32 $0x3F, v31;
	v33 =	vor.u32 v10, v33;
	v26 =	vld.idx.msk [tilespmem:v26+s20+$0x0], $0xffff  }
0x4c: {  	v34 =	vmul.u32 $0x408, v31;
	v35 =	vshll.u32 v31, $0x3;
	v32 =	vadd.s32 v9, v32;
	v28 =	vld.idx.msk [tilespmem:v28+s22+$0x0], $0xffff  }
0x4d: {  	v35 =	vor.u32 v10, v35;
	v29 =	vld.idx.msk [tilespmem:v29+s20+$0x0], $0xffff  }
0x4e: {  	v36 =	vand.u32 $0x38, v11;
	v11 =	vadd.s32 s21, v0;
	v34 =	vadd.s32 v9, v34;
	v30 =	vld.idx.msk [tilespmem:v30+s22+$0x0], $0xffff  }
0x4f: {  	v37 =	vand.u32 $0x3F, v11;
	v36 =	vor.u32 v36, v13;
	v27 =	vld.idx.msk [tilespmem:v27+s20+$0x0], $0xffff  }
0x50: {  	v39 =	vor.u32 v8, v12;
	v38 =	vmul.u32 $0x408, v37;
	v37 =	vshll.u32 v37, $0x3;
	v33 =	vld.idx.msk [tilespmem:v33+s22+$0x0], $0xffff  }
0x51: {  	v15 =	vor.u32 v8, v15;
	v37 =	vor.u32 v10, v37;
	v32 =	vld.idx.msk [tilespmem:v32+s20+$0x0], $0xffff  }
0x52: {  	s10 =	sadd.s32 $0x7, s21;
	v16 =	vadd.f32 v16, v19;
	v14 =	vor.u32 v8, v14;
	v38 =	vadd.s32 v9, v38;
	v19 =	vld.idx.msk [tilespmem:v35+s22+$0x0], $0xffff  }
0x53: {  	v18 =	vor.u32 v8, v18;
	v12 =	vadd.s32 s10, v0;
	v20 =	vadd.f32 v20, v21;
	v34 =	vld.idx.msk [tilespmem:v34+s20+$0x0], $0xffff  }
0x54: {  	v12 =	vand.u32 $0x3F, v12;
	[tilespmem:v36+s29+$0x0] =	vst.idx.add.f32.msk $0xffff, v16;
	v16 =	vor.u32 v8, v17;
	v17 =	vadd.f32 v22, v24  }
0x55: {  	v21 =	vshll.u32 v12, $0x3;
	v22 =	vor.u32 v8, v23;
	v23 =	vadd.f32 v25, v26;
	[tilespmem:v39+s29+$0x0] =	vst.idx.add.f32.msk $0xffff, v20  }
0x56: {  	v24 =	vor.u32 v8, v31;
	v25 =	vadd.f32 v28, v29;
	v20 =	vmul.u32 $0x408, v12;
	[tilespmem:v15+s29+$0x0] =	vst.idx.add.f32.msk $0xffff, v17  }
0x57: {  	s10 =	sadd.s32 $0x6, s21;
	v21 =	vor.u32 v10, v21;
	v17 =	vadd.f32 v30, v27;
	[tilespmem:v14+s29+$0x0] =	vst.idx.add.f32.msk $0xffff, v23  }
0x58: {  	s24 =	sadd.s32 $0x5, s21;
	v14 =	vadd.s32 s10, v0;
	v23 =	vadd.s32 v9, v20;
	v20 =	vadd.f32 v33, v32;
	[tilespmem:v18+s29+$0x0] =	vst.idx.add.f32.msk $0xffff, v25  }
0x59: {  	v18 =	vadd.s32 s24, v0;
	v15 =	vand.u32 $0x3F, v14;
	v19 =	vadd.f32 v19, v34;
	[tilespmem:v16+s29+$0x0] =	vst.idx.add.f32.msk $0xffff, v17  }
0x5a: {  	v14 =	vand.u32 $0x3F, v18;
	v17 =	vmul.u32 $0x408, v15;
	v16 =	vshll.u32 v15, $0x3;
	[tilespmem:v22+s29+$0x0] =	vst.idx.add.f32.msk $0xffff, v20  }
0x5b: {  	s10 =	sadd.s32 $0x4, s21;
	v20 =	vmul.u32 $0x408, v14;
	v18 =	vshll.u32 v14, $0x3;
	v22 =	vor.u32 v10, v16;
	[tilespmem:v24+s29+$0x0] =	vst.idx.add.f32.msk $0xffff, v19  }
0x5c: {  	s24 =	sadd.s32 $0x3, s21;
	v24 =	vadd.s32 s10, v0;
	v25 =	vor.u32 v10, v18;
	v31 =	vadd.s32 v9, v17;
	v16 =	vld.idx.msk [tilespmem:v37+s22+$0x0], $0xffff  }
.Ltmp0:
0x5d: {  	v17 =	vadd.s32 s24, v0;
	v18 =	vand.u32 $0x3F, v24;
	v26 =	vadd.s32 v9, v20;
	v19 =	vld.idx.msk [tilespmem:v38+s20+$0x0], $0xffff;
	(pc) =	sbr.rel @p0 .LBB2_4-.Ltmp0, $4  }
0x5e: {  	v17 =	vand.u32 $0x3F, v17;
	v24 =	vmul.u32 $0x408, v18;
	v27 =	vshll.u32 v18, $0x3;
	v20 =	vld.idx.msk [tilespmem:v21+s22+$0x0], $0xffff  }
0x5f: {  	s10 =	sadd.s32 $0x2, s21;
	v30 =	vmul.u32 $0x408, v17;
	v28 =	vor.u32 v10, v27;
	v21 =	vld.idx.msk [tilespmem:v23+s20+$0x0], $0xffff  }
0x60: {  	v32 =	vshll.u32 v17, $0x3;
	v23 =	vadd.s32 s10, v0;
	v29 =	vadd.s32 v9, v24;
	v22 =	vld.idx.msk [tilespmem:v22+s22+$0x0], $0xffff  }
0x61: {  	s24 =	sadd.s32 $0x1, s21;
	s21 =	sadd.s32 $0x8, s21;
	v27 =	vadd.s32 v9, v30;
	v30 =	vor.u32 v10, v32;
	v23 =	vand.u32 $0x3F, v23;
	v24 =	vld.idx.msk [tilespmem:v31+s20+$0x0], $0xffff  }
0x62: {  	_ =	sdelay $0x3  }
0x63: {  	v31 =	vadd.s32 s24, v0;
	v25 =	vld.idx.msk [tilespmem:v25+s22+$0x0], $0xffff  }
0x64: {  	v32 =	vmul.u32 $0x408, v23;
	v33 =	vshll.u32 v23, $0x3;
	v26 =	vld.idx.msk [tilespmem:v26+s20+$0x0], $0xffff;
	v12 =	vor.u32 v8, v12  }
0x65: {  	v28 =	vld.idx.msk [tilespmem:v28+s22+$0x0], $0xffff;
	v31 =	vand.u32 $0x3F, v31;
	v33 =	vor.u32 v10, v33  }
0x66: {  	v29 =	vld.idx.msk [tilespmem:v29+s20+$0x0], $0xffff;
	v34 =	vmul.u32 $0x408, v31;
	v35 =	vshll.u32 v31, $0x3;
	v32 =	vadd.s32 v9, v32  }
0x67: {  	v30 =	vld.idx.msk [tilespmem:v30+s22+$0x0], $0xffff;
	v57 =	vadd.f32 v20, v21;
	v53 =	vor.u32 v10, v35  }
0x68: {  	v11 =	vand.u32 $0x38, v11;
	v55 =	vld.idx.msk [tilespmem:v27+s20+$0x0], $0xffff;
	v54 =	vadd.s32 v9, v34  }
0x69: {  	v11 =	vor.u32 v11, v13;
	[tilespmem:v12+s29+$0x0] =	vst.idx.add.f32.msk $0xffff, v57  }
0x6a: {  	v15 =	vor.u32 v8, v15;
	v56 =	vld.idx.msk [tilespmem:v33+s22+$0x0], $0xffff  }
0x6b: {  	v14 =	vor.u32 v8, v14;
	v32 =	vld.idx.msk [tilespmem:v32+s20+$0x0], $0xffff  }
0x6c: {  	v16 =	vadd.f32 v16, v19;
	v18 =	vor.u32 v8, v18;
	v10 =	vld.idx.msk [tilespmem:v53+s22+$0x0], $0xffff  }
0x6d: {  	v58 =	vor.u32 v8, v17;
	v59 =	vadd.f32 v22, v24;
	v9 =	vld.idx.msk [tilespmem:v54+s20+$0x0], $0xffff  }
0x6e: {  	v60 =	vor.u32 v8, v23;
	s19 =	sadd.s32 $0x1, s19;
	v61 =	vadd.f32 v25, v26;
	[tilespmem:v11+s29+$0x0] =	vst.idx.add.f32.msk $0xffff, v16  }
0x6f: {  	p0 =	sne.s32 s19, $0x8;
	v8 =	vor.u32 v8, v31;
	v62 =	vadd.f32 v28, v29;
	[tilespmem:v15+s29+$0x0] =	vst.idx.add.f32.msk $0xffff, v59  }
.Ltmp1:
0x70: {  	v13 =	vadd.f32 v30, v55;
	[tilespmem:v14+s29+$0x0] =	vst.idx.add.f32.msk $0xffff, v61;
	(pc) =	sbr.rel @p0 .LBB2_3-.Ltmp1, $4  }
0x71: {  	[tilespmem:v18+s29+$0x0] =	vst.idx.add.f32.msk $0xffff, v62;
	v63 =	vadd.f32 v56, v32  }
0x72: {  	[tilespmem:v58+s29+$0x0] =	vst.idx.add.f32.msk $0xffff, v13;
	v9 =	vadd.f32 v10, v9  }
0x73: {  	[tilespmem:v60+s29+$0x0] =	vst.idx.add.f32.msk $0xffff, v63  }
0x74: {  	[tilespmem:v8+s29+$0x0] =	vst.idx.add.f32.msk $0xffff, v9  }
0x75: {  	s13 =	smul.u32 $0x280, s11;
	_ =	sdelay $0x1  }
0x76: {  	s10 =	sadd.s32 s6, s13  }
0x77: {  	s2 =	rddreg [dreg:$0x1];
	s19 =	sshll.u32 s10, $0x3  }
0x78: {  	s28 =	simm.s32 $0x0;
	s10 =	sadd.s32 s2, s19  }
0x79: {  	[hbm4b:s10+s28] =	stream.linear.scatter [tilespmem:s29], [sflag:$0x6], $0x2000, $0x38;
	[tilespmem:$0x1AE00] =	vst v63  }
0x7a: {  	_ =	swait.ge [sflag:s1], $0x2000  }
0x7b: {  	[sflag:s1] =	ssyncset.done $0x0  }
0x7c: {  	s21 =	simm.s32 $0x0;
	[sflag:s1] =	ssyncadd.s32 $0xFFFFE000  }
.LBB2_7:
0x7d: {  	_ =	sdelay $0x2  }
0x7e: {  	s10 =	sshll.u32 s21, $0x4  }
0x7f: {  	v8 =	vld.idx.msk [tilespmem:v7+s10+$0x80 ss:$0x1], $0xffff;
	v10 =	vmov s10  }
0x80: {  	v11 =	vshll.u32 v10, $0x6  }
0x81: {  	s24 =	simm.s32 $0x7;
	v13 =	vor.u32 v2, v11;
	v11 =	vadd.s32 s28, v0  }
0x82: {  	v14 =	vadd.s32 s24, v0;
	v12 =	vand.u32 $0x3F, v11  }
0x83: {  	v15 =	vmul.u32 $0x408, v12;
	v16 =	vshll.u32 v12, $0x3;
	v12 =	vand.u32 $0x3F, v14  }
0x84: {  	v9 =	vshrl.u32 v8, $0x2;
	v10 =	vand.u32 $0x3, v8;
	v8 =	vadd.s32 $0x2000, v13  }
0x85: {  	s2 =	simm.s32 $0x6;
	v14 =	vshll.u32 v12, $0x3;
	v17 =	vmul.u32 $0x408, v12;
	v16 =	vor.u32 v10, v16  }
0x86: {  	s24 =	simm.s32 $0x5;
	v18 =	vadd.s32 v9, v15;
	v20 =	vor.u32 v10, v14;
	v14 =	vadd.s32 s2, v0  }
0x87: {  	v21 =	vadd.s32 v9, v17;
	v17 =	vadd.s32 s24, v0;
	v15 =	vand.u32 $0x3F, v14  }
0x88: {  	s24 =	simm.s32 $0x4;
	v14 =	vand.u32 $0x3F, v17;
	v17 =	vmul.u32 $0x408, v15;
	v19 =	vshll.u32 v15, $0x3  }
0x89: {  	s2 =	simm.s32 $0x3;
	v24 =	vadd.s32 s24, v0;
	v22 =	vmul.u32 $0x408, v14;
	v23 =	vor.u32 v10, v19  }
0x8a: {  	v19 =	vshll.u32 v14, $0x3;
	v31 =	vadd.s32 v9, v17;
	v17 =	vadd.s32 s2, v0;
	v16 =	vld.idx.msk [tilespmem:v16+s22+$0x0], $0xffff  }
0x8b: {  	v25 =	vor.u32 v10, v19;
	v19 =	vld.idx.msk [tilespmem:v18+s20+$0x0], $0xffff;
	v18 =	vand.u32 $0x3F, v24;
	v17 =	vand.u32 $0x3F, v17  }
0x8c: {  	v20 =	vld.idx.msk [tilespmem:v20+s22+$0x0], $0xffff;
	v26 =	vadd.s32 v9, v22;
	v24 =	vmul.u32 $0x408, v18;
	v27 =	vshll.u32 v18, $0x3  }
0x8d: {  	v13 =	vadd.s32 v3, v13;
	s24 =	simm.s32 $0x2;
	v30 =	vmul.u32 $0x408, v17;
	v21 =	vld.idx.msk [tilespmem:v21+s20+$0x0], $0xffff;
	v28 =	vor.u32 v10, v27  }
0x8e: {  	v32 =	vshll.u32 v17, $0x3;
	v27 =	vadd.s32 s24, v0;
	v29 =	vadd.s32 v9, v24;
	v22 =	vld.idx.msk [tilespmem:v23+s22+$0x0], $0xffff  }
0x8f: {  	s10 =	simm.s32 $0x1;
	s24 =	simm.s32 $0x8;
	v23 =	vand.u32 $0x3F, v27;
	v27 =	vadd.s32 v9, v30;
	v30 =	vor.u32 v10, v32;
	v24 =	vld.idx.msk [tilespmem:v31+s20+$0x0], $0xffff  }
.LBB2_8:
0x90: {  	p0 =	slt.u32 s24, $0x38;
	v31 =	vadd.s32 s10, v0;
	v32 =	vmul.u32 $0x408, v23;
	v33 =	vshll.u32 v23, $0x3;
	v25 =	vld.idx.msk [tilespmem:v25+s22+$0x0], $0xffff  }
0x91: {  	v31 =	vand.u32 $0x3F, v31;
	v33 =	vor.u32 v10, v33;
	v26 =	vld.idx.msk [tilespmem:v26+s20+$0x0], $0xffff  }
0x92: {  	v34 =	vmul.u32 $0x408, v31;
	v35 =	vshll.u32 v31, $0x3;
	v32 =	vadd.s32 v9, v32;
	v28 =	vld.idx.msk [tilespmem:v28+s22+$0x0], $0xffff  }
0x93: {  	v35 =	vor.u32 v10, v35;
	v29 =	vld.idx.msk [tilespmem:v29+s20+$0x0], $0xffff  }
0x94: {  	v36 =	vand.u32 $0x38, v11;
	v11 =	vadd.s32 s24, v0;
	v34 =	vadd.s32 v9, v34;
	v30 =	vld.idx.msk [tilespmem:v30+s22+$0x0], $0xffff  }
0x95: {  	v37 =	vand.u32 $0x3F, v11;
	v36 =	vor.u32 v36, v13;
	v27 =	vld.idx.msk [tilespmem:v27+s20+$0x0], $0xffff  }
0x96: {  	v39 =	vor.u32 v8, v12;
	v38 =	vmul.u32 $0x408, v37;
	v37 =	vshll.u32 v37, $0x3;
	v33 =	vld.idx.msk [tilespmem:v33+s22+$0x0], $0xffff  }
0x97: {  	v15 =	vor.u32 v8, v15;
	v37 =	vor.u32 v10, v37;
	v32 =	vld.idx.msk [tilespmem:v32+s20+$0x0], $0xffff  }
0x98: {  	s10 =	sadd.s32 $0x7, s24;
	v16 =	vadd.f32 v16, v19;
	v14 =	vor.u32 v8, v14;
	v38 =	vadd.s32 v9, v38;
	v19 =	vld.idx.msk [tilespmem:v35+s22+$0x0], $0xffff  }
0x99: {  	v18 =	vor.u32 v8, v18;
	v12 =	vadd.s32 s10, v0;
	v20 =	vadd.f32 v20, v21;
	v34 =	vld.idx.msk [tilespmem:v34+s20+$0x0], $0xffff  }
0x9a: {  	v12 =	vand.u32 $0x3F, v12;
	[tilespmem:v36+s29+$0x0] =	vst.idx.add.f32.msk $0xffff, v16;
	v16 =	vor.u32 v8, v17;
	v17 =	vadd.f32 v22, v24  }
0x9b: {  	v21 =	vshll.u32 v12, $0x3;
	v22 =	vor.u32 v8, v23;
	v23 =	vadd.f32 v25, v26;
	[tilespmem:v39+s29+$0x0] =	vst.idx.add.f32.msk $0xffff, v20  }
0x9c: {  	v24 =	vor.u32 v8, v31;
	v25 =	vadd.f32 v28, v29;
	v20 =	vmul.u32 $0x408, v12;
	[tilespmem:v15+s29+$0x0] =	vst.idx.add.f32.msk $0xffff, v17  }
0x9d: {  	s10 =	sadd.s32 $0x6, s24;
	v21 =	vor.u32 v10, v21;
	v17 =	vadd.f32 v30, v27;
	[tilespmem:v14+s29+$0x0] =	vst.idx.add.f32.msk $0xffff, v23  }
0x9e: {  	s2 =	sadd.s32 $0x5, s24;
	v14 =	vadd.s32 s10, v0;
	v23 =	vadd.s32 v9, v20;
	v20 =	vadd.f32 v33, v32;
	[tilespmem:v18+s29+$0x0] =	vst.idx.add.f32.msk $0xffff, v25  }
0x9f: {  	v18 =	vadd.s32 s2, v0;
	v15 =	vand.u32 $0x3F, v14;
	v19 =	vadd.f32 v19, v34;
	[tilespmem:v16+s29+$0x0] =	vst.idx.add.f32.msk $0xffff, v17  }
0xa0: {  	v14 =	vand.u32 $0x3F, v18;
	v17 =	vmul.u32 $0x408, v15;
	v16 =	vshll.u32 v15, $0x3;
	[tilespmem:v22+s29+$0x0] =	vst.idx.add.f32.msk $0xffff, v20  }
0xa1: {  	s2 =	sadd.s32 $0x4, s24;
	v20 =	vmul.u32 $0x408, v14;
	v18 =	vshll.u32 v14, $0x3;
	v22 =	vor.u32 v10, v16;
	[tilespmem:v24+s29+$0x0] =	vst.idx.add.f32.msk $0xffff, v19  }
0xa2: {  	s10 =	sadd.s32 $0x3, s24;
	v24 =	vadd.s32 s2, v0;
	v25 =	vor.u32 v10, v18;
	v31 =	vadd.s32 v9, v17;
	v16 =	vld.idx.msk [tilespmem:v37+s22+$0x0], $0xffff  }
.Ltmp2:
0xa3: {  	v17 =	vadd.s32 s10, v0;
	v18 =	vand.u32 $0x3F, v24;
	v26 =	vadd.s32 v9, v20;
	v19 =	vld.idx.msk [tilespmem:v38+s20+$0x0], $0xffff;
	(pc) =	sbr.rel @p0 .LBB2_8-.Ltmp2, $4  }
0xa4: {  	v17 =	vand.u32 $0x3F, v17;
	v24 =	vmul.u32 $0x408, v18;
	v27 =	vshll.u32 v18, $0x3;
	v20 =	vld.idx.msk [tilespmem:v21+s22+$0x0], $0xffff  }
0xa5: {  	s2 =	sadd.s32 $0x2, s24;
	v30 =	vmul.u32 $0x408, v17;
	v28 =	vor.u32 v10, v27;
	v21 =	vld.idx.msk [tilespmem:v23+s20+$0x0], $0xffff  }
0xa6: {  	v32 =	vshll.u32 v17, $0x3;
	v23 =	vadd.s32 s2, v0;
	v29 =	vadd.s32 v9, v24;
	v22 =	vld.idx.msk [tilespmem:v22+s22+$0x0], $0xffff  }
0xa7: {  	s10 =	sadd.s32 $0x1, s24;
	s24 =	sadd.s32 $0x8, s24;
	v27 =	vadd.s32 v9, v30;
	v30 =	vor.u32 v10, v32;
	v23 =	vand.u32 $0x3F, v23;
	v24 =	vld.idx.msk [tilespmem:v31+s20+$0x0], $0xffff  }
0xa8: {  	_ =	sdelay $0x3  }
0xa9: {  	v31 =	vadd.s32 s10, v0;
	v25 =	vld.idx.msk [tilespmem:v25+s22+$0x0], $0xffff  }
0xaa: {  	v32 =	vmul.u32 $0x408, v23;
	v33 =	vshll.u32 v23, $0x3;
	v26 =	vld.idx.msk [tilespmem:v26+s20+$0x0], $0xffff;
	v12 =	vor.u32 v8, v12  }
0xab: {  	v28 =	vld.idx.msk [tilespmem:v28+s22+$0x0], $0xffff;
	v31 =	vand.u32 $0x3F, v31;
	v33 =	vor.u32 v10, v33  }
0xac: {  	v29 =	vld.idx.msk [tilespmem:v29+s20+$0x0], $0xffff;
	v34 =	vmul.u32 $0x408, v31;
	v35 =	vshll.u32 v31, $0x3;
	v32 =	vadd.s32 v9, v32  }
0xad: {  	v30 =	vld.idx.msk [tilespmem:v30+s22+$0x0], $0xffff;
	v57 =	vadd.f32 v20, v21;
	v53 =	vor.u32 v10, v35  }
0xae: {  	v11 =	vand.u32 $0x38, v11;
	v55 =	vld.idx.msk [tilespmem:v27+s20+$0x0], $0xffff;
	v54 =	vadd.s32 v9, v34  }
0xaf: {  	v11 =	vor.u32 v11, v13;
	[tilespmem:v12+s29+$0x0] =	vst.idx.add.f32.msk $0xffff, v57  }
0xb0: {  	v15 =	vor.u32 v8, v15;
	v56 =	vld.idx.msk [tilespmem:v33+s22+$0x0], $0xffff  }
0xb1: {  	v14 =	vor.u32 v8, v14;
	v32 =	vld.idx.msk [tilespmem:v32+s20+$0x0], $0xffff  }
0xb2: {  	v16 =	vadd.f32 v16, v19;
	v18 =	vor.u32 v8, v18;
	v10 =	vld.idx.msk [tilespmem:v53+s22+$0x0], $0xffff  }
0xb3: {  	v58 =	vor.u32 v8, v17;
	v59 =	vadd.f32 v22, v24;
	v9 =	vld.idx.msk [tilespmem:v54+s20+$0x0], $0xffff  }
0xb4: {  	v60 =	vor.u32 v8, v23;
	s21 =	sadd.s32 $0x1, s21;
	v61 =	vadd.f32 v25, v26;
	[tilespmem:v11+s29+$0x0] =	vst.idx.add.f32.msk $0xffff, v16  }
0xb5: {  	p0 =	sne.s32 s21, $0x8;
	v8 =	vor.u32 v8, v31;
	v62 =	vadd.f32 v28, v29;
	[tilespmem:v15+s29+$0x0] =	vst.idx.add.f32.msk $0xffff, v59  }
.Ltmp3:
0xb6: {  	v13 =	vadd.f32 v30, v55;
	[tilespmem:v14+s29+$0x0] =	vst.idx.add.f32.msk $0xffff, v61;
	(pc) =	sbr.rel @p0 .LBB2_7-.Ltmp3, $4  }
0xb7: {  	[tilespmem:v18+s29+$0x0] =	vst.idx.add.f32.msk $0xffff, v62;
	v63 =	vadd.f32 v56, v32  }
0xb8: {  	[tilespmem:v58+s29+$0x0] =	vst.idx.add.f32.msk $0xffff, v13;
	v9 =	vadd.f32 v10, v9  }
0xb9: {  	[tilespmem:v60+s29+$0x0] =	vst.idx.add.f32.msk $0xffff, v63  }
0xba: {  	[tilespmem:v8+s29+$0x0] =	vst.idx.add.f32.msk $0xffff, v9  }
0xbb: {  	s2 =	sadd.s32 s19, s14;
	s28 =	simm.s32 $0x0  }
0xbc: {  	[hbm4b:s2+s28] =	stream.linear.scatter [tilespmem:s30], [sflag:$0x7], $0x2000, $0x38;
	[tilespmem:$0x1AE00] =	vst v63  }
0xbd: {  	_ =	swait.ge [sflag:s25], $0x2000  }
0xbe: {  	[sflag:s25] =	ssyncset.done $0x0  }
0xbf: {  	s21 =	simm.s32 $0x0;
	[sflag:s25] =	ssyncadd.s32 $0xFFFFE000  }
.LBB2_11:
0xc0: {  	_ =	sdelay $0x2  }
0xc1: {  	s2 =	sshll.u32 s21, $0x4  }
0xc2: {  	v8 =	vld.idx.msk [tilespmem:v7+s2+$0x100 ss:$0x1], $0xffff;
	v10 =	vmov s2  }
0xc3: {  	v11 =	vshll.u32 v10, $0x6  }
0xc4: {  	s10 =	simm.s32 $0x7;
	v13 =	vor.u32 v2, v11;
	v11 =	vadd.s32 s28, v0  }
0xc5: {  	v14 =	vadd.s32 s10, v0;
	v12 =	vand.u32 $0x3F, v11  }
0xc6: {  	v15 =	vmul.u32 $0x408, v12;
	v16 =	vshll.u32 v12, $0x3;
	v12 =	vand.u32 $0x3F, v14  }
0xc7: {  	v9 =	vshrl.u32 v8, $0x2;
	v10 =	vand.u32 $0x3, v8;
	v8 =	vadd.s32 $0x4000, v13  }
0xc8: {  	s24 =	simm.s32 $0x6;
	v14 =	vshll.u32 v12, $0x3;
	v17 =	vmul.u32 $0x408, v12;
	v16 =	vor.u32 v10, v16  }
0xc9: {  	s10 =	simm.s32 $0x5;
	v18 =	vadd.s32 v9, v15;
	v20 =	vor.u32 v10, v14;
	v14 =	vadd.s32 s24, v0  }
0xca: {  	v21 =	vadd.s32 v9, v17;
	v17 =	vadd.s32 s10, v0;
	v15 =	vand.u32 $0x3F, v14  }
0xcb: {  	s10 =	simm.s32 $0x4;
	v14 =	vand.u32 $0x3F, v17;
	v17 =	vmul.u32 $0x408, v15;
	v19 =	vshll.u32 v15, $0x3  }
0xcc: {  	s24 =	simm.s32 $0x3;
	v24 =	vadd.s32 s10, v0;
	v22 =	vmul.u32 $0x408, v14;
	v23 =	vor.u32 v10, v19  }
0xcd: {  	v19 =	vshll.u32 v14, $0x3;
	v31 =	vadd.s32 v9, v17;
	v17 =	vadd.s32 s24, v0;
	v16 =	vld.idx.msk [tilespmem:v16+s22+$0x0], $0xffff  }
0xce: {  	v25 =	vor.u32 v10, v19;
	v19 =	vld.idx.msk [tilespmem:v18+s20+$0x0], $0xffff;
	v18 =	vand.u32 $0x3F, v24;
	v17 =	vand.u32 $0x3F, v17  }
0xcf: {  	v20 =	vld.idx.msk [tilespmem:v20+s22+$0x0], $0xffff;
	v26 =	vadd.s32 v9, v22;
	v24 =	vmul.u32 $0x408, v18;
	v27 =	vshll.u32 v18, $0x3  }
0xd0: {  	v13 =	vadd.s32 v4, v13;
	s24 =	simm.s32 $0x2;
	v30 =	vmul.u32 $0x408, v17;
	v21 =	vld.idx.msk [tilespmem:v21+s20+$0x0], $0xffff;
	v28 =	vor.u32 v10, v27  }
0xd1: {  	v32 =	vshll.u32 v17, $0x3;
	v27 =	vadd.s32 s24, v0;
	v29 =	vadd.s32 v9, v24;
	v22 =	vld.idx.msk [tilespmem:v23+s22+$0x0], $0xffff  }
0xd2: {  	s10 =	simm.s32 $0x1;
	s24 =	simm.s32 $0x8;
	v23 =	vand.u32 $0x3F, v27;
	v27 =	vadd.s32 v9, v30;
	v30 =	vor.u32 v10, v32;
	v24 =	vld.idx.msk [tilespmem:v31+s20+$0x0], $0xffff  }
.LBB2_12:
0xd3: {  	p0 =	slt.u32 s24, $0x38;
	v31 =	vadd.s32 s10, v0;
	v32 =	vmul.u32 $0x408, v23;
	v33 =	vshll.u32 v23, $0x3;
	v25 =	vld.idx.msk [tilespmem:v25+s22+$0x0], $0xffff  }
0xd4: {  	v31 =	vand.u32 $0x3F, v31;
	v33 =	vor.u32 v10, v33;
	v26 =	vld.idx.msk [tilespmem:v26+s20+$0x0], $0xffff  }
0xd5: {  	v34 =	vmul.u32 $0x408, v31;
	v35 =	vshll.u32 v31, $0x3;
	v32 =	vadd.s32 v9, v32;
	v28 =	vld.idx.msk [tilespmem:v28+s22+$0x0], $0xffff  }
0xd6: {  	v35 =	vor.u32 v10, v35;
	v29 =	vld.idx.msk [tilespmem:v29+s20+$0x0], $0xffff  }
0xd7: {  	v36 =	vand.u32 $0x38, v11;
	v11 =	vadd.s32 s24, v0;
	v34 =	vadd.s32 v9, v34;
	v30 =	vld.idx.msk [tilespmem:v30+s22+$0x0], $0xffff  }
0xd8: {  	v37 =	vand.u32 $0x3F, v11;
	v36 =	vor.u32 v36, v13;
	v27 =	vld.idx.msk [tilespmem:v27+s20+$0x0], $0xffff  }
0xd9: {  	v39 =	vor.u32 v8, v12;
	v38 =	vmul.u32 $0x408, v37;
	v37 =	vshll.u32 v37, $0x3;
	v33 =	vld.idx.msk [tilespmem:v33+s22+$0x0], $0xffff  }
0xda: {  	v15 =	vor.u32 v8, v15;
	v37 =	vor.u32 v10, v37;
	v32 =	vld.idx.msk [tilespmem:v32+s20+$0x0], $0xffff  }
0xdb: {  	s2 =	sadd.s32 $0x7, s24;
	v16 =	vadd.f32 v16, v19;
	v14 =	vor.u32 v8, v14;
	v38 =	vadd.s32 v9, v38;
	v19 =	vld.idx.msk [tilespmem:v35+s22+$0x0], $0xffff  }
0xdc: {  	v18 =	vor.u32 v8, v18;
	v12 =	vadd.s32 s2, v0;
	v20 =	vadd.f32 v20, v21;
	v34 =	vld.idx.msk [tilespmem:v34+s20+$0x0], $0xffff  }
0xdd: {  	v12 =	vand.u32 $0x3F, v12;
	[tilespmem:v36+s29+$0x0] =	vst.idx.add.f32.msk $0xffff, v16;
	v16 =	vor.u32 v8, v17;
	v17 =	vadd.f32 v22, v24  }
0xde: {  	v21 =	vshll.u32 v12, $0x3;
	v22 =	vor.u32 v8, v23;
	v23 =	vadd.f32 v25, v26;
	[tilespmem:v39+s29+$0x0] =	vst.idx.add.f32.msk $0xffff, v20  }
0xdf: {  	v24 =	vor.u32 v8, v31;
	v25 =	vadd.f32 v28, v29;
	v20 =	vmul.u32 $0x408, v12;
	[tilespmem:v15+s29+$0x0] =	vst.idx.add.f32.msk $0xffff, v17  }
0xe0: {  	s2 =	sadd.s32 $0x6, s24;
	v21 =	vor.u32 v10, v21;
	v17 =	vadd.f32 v30, v27;
	[tilespmem:v14+s29+$0x0] =	vst.idx.add.f32.msk $0xffff, v23  }
0xe1: {  	s10 =	sadd.s32 $0x5, s24;
	v14 =	vadd.s32 s2, v0;
	v23 =	vadd.s32 v9, v20;
	v20 =	vadd.f32 v33, v32;
	[tilespmem:v18+s29+$0x0] =	vst.idx.add.f32.msk $0xffff, v25  }
0xe2: {  	v18 =	vadd.s32 s10, v0;
	v15 =	vand.u32 $0x3F, v14;
	v19 =	vadd.f32 v19, v34;
	[tilespmem:v16+s29+$0x0] =	vst.idx.add.f32.msk $0xffff, v17  }
0xe3: {  	v14 =	vand.u32 $0x3F, v18;
	v17 =	vmul.u32 $0x408, v15;
	v16 =	vshll.u32 v15, $0x3;
	[tilespmem:v22+s29+$0x0] =	vst.idx.add.f32.msk $0xffff, v20  }
0xe4: {  	s2 =	sadd.s32 $0x4, s24;
	v20 =	vmul.u32 $0x408, v14;
	v18 =	vshll.u32 v14, $0x3;
	v22 =	vor.u32 v10, v16;
	[tilespmem:v24+s29+$0x0] =	vst.idx.add.f32.msk $0xffff, v19  }
0xe5: {  	s10 =	sadd.s32 $0x3, s24;
	v24 =	vadd.s32 s2, v0;
	v25 =	vor.u32 v10, v18;
	v31 =	vadd.s32 v9, v17;
	v16 =	vld.idx.msk [tilespmem:v37+s22+$0x0], $0xffff  }
.Ltmp4:
0xe6: {  	v17 =	vadd.s32 s10, v0;
	v18 =	vand.u32 $0x3F, v24;
	v26 =	vadd.s32 v9, v20;
	v19 =	vld.idx.msk [tilespmem:v38+s20+$0x0], $0xffff;
	(pc) =	sbr.rel @p0 .LBB2_12-.Ltmp4, $4  }
0xe7: {  	v17 =	vand.u32 $0x3F, v17;
	v24 =	vmul.u32 $0x408, v18;
	v27 =	vshll.u32 v18, $0x3;
	v20 =	vld.idx.msk [tilespmem:v21+s22+$0x0], $0xffff  }
0xe8: {  	s2 =	sadd.s32 $0x2, s24;
	v30 =	vmul.u32 $0x408, v17;
	v28 =	vor.u32 v10, v27;
	v21 =	vld.idx.msk [tilespmem:v23+s20+$0x0], $0xffff  }
0xe9: {  	v32 =	vshll.u32 v17, $0x3;
	v23 =	vadd.s32 s2, v0;
	v29 =	vadd.s32 v9, v24;
	v22 =	vld.idx.msk [tilespmem:v22+s22+$0x0], $0xffff  }
0xea: {  	s10 =	sadd.s32 $0x1, s24;
	s24 =	sadd.s32 $0x8, s24;
	v27 =	vadd.s32 v9, v30;
	v30 =	vor.u32 v10, v32;
	v23 =	vand.u32 $0x3F, v23;
	v24 =	vld.idx.msk [tilespmem:v31+s20+$0x0], $0xffff  }
0xeb: {  	_ =	sdelay $0x3  }
0xec: {  	v31 =	vadd.s32 s10, v0;
	v25 =	vld.idx.msk [tilespmem:v25+s22+$0x0], $0xffff  }
0xed: {  	v32 =	vmul.u32 $0x408, v23;
	v33 =	vshll.u32 v23, $0x3;
	v26 =	vld.idx.msk [tilespmem:v26+s20+$0x0], $0xffff;
	v12 =	vor.u32 v8, v12  }
0xee: {  	v28 =	vld.idx.msk [tilespmem:v28+s22+$0x0], $0xffff;
	v31 =	vand.u32 $0x3F, v31;
	v33 =	vor.u32 v10, v33  }
0xef: {  	v29 =	vld.idx.msk [tilespmem:v29+s20+$0x0], $0xffff;
	v34 =	vmul.u32 $0x408, v31;
	v35 =	vshll.u32 v31, $0x3;
	v32 =	vadd.s32 v9, v32  }
0xf0: {  	v30 =	vld.idx.msk [tilespmem:v30+s22+$0x0], $0xffff;
	v57 =	vadd.f32 v20, v21;
	v53 =	vor.u32 v10, v35  }
0xf1: {  	v11 =	vand.u32 $0x38, v11;
	v55 =	vld.idx.msk [tilespmem:v27+s20+$0x0], $0xffff;
	v54 =	vadd.s32 v9, v34  }
0xf2: {  	v11 =	vor.u32 v11, v13;
	[tilespmem:v12+s29+$0x0] =	vst.idx.add.f32.msk $0xffff, v57  }
0xf3: {  	v15 =	vor.u32 v8, v15;
	v56 =	vld.idx.msk [tilespmem:v33+s22+$0x0], $0xffff  }
0xf4: {  	v14 =	vor.u32 v8, v14;
	v32 =	vld.idx.msk [tilespmem:v32+s20+$0x0], $0xffff  }
0xf5: {  	v16 =	vadd.f32 v16, v19;
	v18 =	vor.u32 v8, v18;
	v10 =	vld.idx.msk [tilespmem:v53+s22+$0x0], $0xffff  }
0xf6: {  	v58 =	vor.u32 v8, v17;
	v59 =	vadd.f32 v22, v24;
	v9 =	vld.idx.msk [tilespmem:v54+s20+$0x0], $0xffff  }
0xf7: {  	v60 =	vor.u32 v8, v23;
	s21 =	sadd.s32 $0x1, s21;
	v61 =	vadd.f32 v25, v26;
	[tilespmem:v11+s29+$0x0] =	vst.idx.add.f32.msk $0xffff, v16  }
0xf8: {  	p0 =	sne.s32 s21, $0x8;
	v8 =	vor.u32 v8, v31;
	v62 =	vadd.f32 v28, v29;
	[tilespmem:v15+s29+$0x0] =	vst.idx.add.f32.msk $0xffff, v59  }
.Ltmp5:
0xf9: {  	v13 =	vadd.f32 v30, v55;
	[tilespmem:v14+s29+$0x0] =	vst.idx.add.f32.msk $0xffff, v61;
	(pc) =	sbr.rel @p0 .LBB2_11-.Ltmp5, $4  }
0xfa: {  	[tilespmem:v18+s29+$0x0] =	vst.idx.add.f32.msk $0xffff, v62;
	v63 =	vadd.f32 v56, v32  }
0xfb: {  	[tilespmem:v58+s29+$0x0] =	vst.idx.add.f32.msk $0xffff, v13;
	v9 =	vadd.f32 v10, v9  }
0xfc: {  	[tilespmem:v60+s29+$0x0] =	vst.idx.add.f32.msk $0xffff, v63  }
0xfd: {  	[tilespmem:v8+s29+$0x0] =	vst.idx.add.f32.msk $0xffff, v9  }
0xfe: {  	s2 =	sadd.s32 s19, s15;
	s28 =	simm.s32 $0x0  }
0xff: {  	[hbm4b:s2+s28] =	stream.linear.scatter [tilespmem:s0], [sflag:$0x8], $0x2000, $0x38;
	[tilespmem:$0x1AE00] =	vst v63  }
0x100: {  	_ =	swait.ge [sflag:s5], $0x2000  }
0x101: {  	[sflag:s5] =	ssyncset.done $0x0  }
0x102: {  	s21 =	simm.s32 $0x0;
	[sflag:s5] =	ssyncadd.s32 $0xFFFFE000  }
.LBB2_15:
0x103: {  	_ =	sdelay $0x2  }
0x104: {  	s2 =	sshll.u32 s21, $0x4  }
0x105: {  	v8 =	vld.idx.msk [tilespmem:v7+s2+$0x180 ss:$0x1], $0xffff;
	v10 =	vmov s2  }
0x106: {  	v11 =	vshll.u32 v10, $0x6  }
0x107: {  	s10 =	simm.s32 $0x7;
	v13 =	vor.u32 v2, v11;
	v11 =	vadd.s32 s28, v0  }
0x108: {  	v14 =	vadd.s32 s10, v0;
	v12 =	vand.u32 $0x3F, v11  }
0x109: {  	v15 =	vmul.u32 $0x408, v12;
	v16 =	vshll.u32 v12, $0x3;
	v12 =	vand.u32 $0x3F, v14  }
0x10a: {  	v9 =	vshrl.u32 v8, $0x2;
	v10 =	vand.u32 $0x3, v8;
	v8 =	vadd.s32 $0x6000, v13  }
0x10b: {  	s24 =	simm.s32 $0x6;
	v14 =	vshll.u32 v12, $0x3;
	v17 =	vmul.u32 $0x408, v12;
	v16 =	vor.u32 v10, v16  }
0x10c: {  	s10 =	simm.s32 $0x5;
	v18 =	vadd.s32 v9, v15;
	v20 =	vor.u32 v10, v14;
	v14 =	vadd.s32 s24, v0  }
0x10d: {  	v21 =	vadd.s32 v9, v17;
	v17 =	vadd.s32 s10, v0;
	v15 =	vand.u32 $0x3F, v14  }
0x10e: {  	s10 =	simm.s32 $0x4;
	v14 =	vand.u32 $0x3F, v17;
	v17 =	vmul.u32 $0x408, v15;
	v19 =	vshll.u32 v15, $0x3  }
0x10f: {  	s24 =	simm.s32 $0x3;
	v24 =	vadd.s32 s10, v0;
	v22 =	vmul.u32 $0x408, v14;
	v23 =	vor.u32 v10, v19  }
0x110: {  	v19 =	vshll.u32 v14, $0x3;
	v31 =	vadd.s32 v9, v17;
	v17 =	vadd.s32 s24, v0;
	v16 =	vld.idx.msk [tilespmem:v16+s22+$0x0], $0xffff  }
0x111: {  	v25 =	vor.u32 v10, v19;
	v19 =	vld.idx.msk [tilespmem:v18+s20+$0x0], $0xffff;
	v18 =	vand.u32 $0x3F, v24;
	v17 =	vand.u32 $0x3F, v17  }
0x112: {  	v20 =	vld.idx.msk [tilespmem:v20+s22+$0x0], $0xffff;
	v26 =	vadd.s32 v9, v22;
	v24 =	vmul.u32 $0x408, v18;
	v27 =	vshll.u32 v18, $0x3  }
0x113: {  	v13 =	vadd.s32 v5, v13;
	s24 =	simm.s32 $0x2;
	v30 =	vmul.u32 $0x408, v17;
	v21 =	vld.idx.msk [tilespmem:v21+s20+$0x0], $0xffff;
	v28 =	vor.u32 v10, v27  }
0x114: {  	v32 =	vshll.u32 v17, $0x3;
	v27 =	vadd.s32 s24, v0;
	v29 =	vadd.s32 v9, v24;
	v22 =	vld.idx.msk [tilespmem:v23+s22+$0x0], $0xffff  }
0x115: {  	s10 =	simm.s32 $0x1;
	s24 =	simm.s32 $0x8;
	v23 =	vand.u32 $0x3F, v27;
	v27 =	vadd.s32 v9, v30;
	v30 =	vor.u32 v10, v32;
	v24 =	vld.idx.msk [tilespmem:v31+s20+$0x0], $0xffff  }
.LBB2_16:
0x116: {  	p0 =	slt.u32 s24, $0x38;
	v31 =	vadd.s32 s10, v0;
	v32 =	vmul.u32 $0x408, v23;
	v33 =	vshll.u32 v23, $0x3;
	v25 =	vld.idx.msk [tilespmem:v25+s22+$0x0], $0xffff  }
0x117: {  	v31 =	vand.u32 $0x3F, v31;
	v33 =	vor.u32 v10, v33;
	v26 =	vld.idx.msk [tilespmem:v26+s20+$0x0], $0xffff  }
0x118: {  	v34 =	vmul.u32 $0x408, v31;
	v35 =	vshll.u32 v31, $0x3;
	v32 =	vadd.s32 v9, v32;
	v28 =	vld.idx.msk [tilespmem:v28+s22+$0x0], $0xffff  }
0x119: {  	v35 =	vor.u32 v10, v35;
	v29 =	vld.idx.msk [tilespmem:v29+s20+$0x0], $0xffff  }
0x11a: {  	v36 =	vand.u32 $0x38, v11;
	v11 =	vadd.s32 s24, v0;
	v34 =	vadd.s32 v9, v34;
	v30 =	vld.idx.msk [tilespmem:v30+s22+$0x0], $0xffff  }
0x11b: {  	v37 =	vand.u32 $0x3F, v11;
	v36 =	vor.u32 v36, v13;
	v27 =	vld.idx.msk [tilespmem:v27+s20+$0x0], $0xffff  }
0x11c: {  	v39 =	vor.u32 v8, v12;
	v38 =	vmul.u32 $0x408, v37;
	v37 =	vshll.u32 v37, $0x3;
	v33 =	vld.idx.msk [tilespmem:v33+s22+$0x0], $0xffff  }
0x11d: {  	v15 =	vor.u32 v8, v15;
	v37 =	vor.u32 v10, v37;
	v32 =	vld.idx.msk [tilespmem:v32+s20+$0x0], $0xffff  }
0x11e: {  	s2 =	sadd.s32 $0x7, s24;
	v16 =	vadd.f32 v16, v19;
	v14 =	vor.u32 v8, v14;
	v38 =	vadd.s32 v9, v38;
	v19 =	vld.idx.msk [tilespmem:v35+s22+$0x0], $0xffff  }
0x11f: {  	v18 =	vor.u32 v8, v18;
	v12 =	vadd.s32 s2, v0;
	v20 =	vadd.f32 v20, v21;
	v34 =	vld.idx.msk [tilespmem:v34+s20+$0x0], $0xffff  }
0x120: {  	v12 =	vand.u32 $0x3F, v12;
	[tilespmem:v36+s29+$0x0] =	vst.idx.add.f32.msk $0xffff, v16;
	v16 =	vor.u32 v8, v17;
	v17 =	vadd.f32 v22, v24  }
0x121: {  	v21 =	vshll.u32 v12, $0x3;
	v22 =	vor.u32 v8, v23;
	v23 =	vadd.f32 v25, v26;
	[tilespmem:v39+s29+$0x0] =	vst.idx.add.f32.msk $0xffff, v20  }
0x122: {  	v24 =	vor.u32 v8, v31;
	v25 =	vadd.f32 v28, v29;
	v20 =	vmul.u32 $0x408, v12;
	[tilespmem:v15+s29+$0x0] =	vst.idx.add.f32.msk $0xffff, v17  }
0x123: {  	s2 =	sadd.s32 $0x6, s24;
	v21 =	vor.u32 v10, v21;
	v17 =	vadd.f32 v30, v27;
	[tilespmem:v14+s29+$0x0] =	vst.idx.add.f32.msk $0xffff, v23  }
0x124: {  	s10 =	sadd.s32 $0x5, s24;
	v14 =	vadd.s32 s2, v0;
	v23 =	vadd.s32 v9, v20;
	v20 =	vadd.f32 v33, v32;
	[tilespmem:v18+s29+$0x0] =	vst.idx.add.f32.msk $0xffff, v25  }
0x125: {  	v18 =	vadd.s32 s10, v0;
	v15 =	vand.u32 $0x3F, v14;
	v19 =	vadd.f32 v19, v34;
	[tilespmem:v16+s29+$0x0] =	vst.idx.add.f32.msk $0xffff, v17  }
0x126: {  	v14 =	vand.u32 $0x3F, v18;
	v17 =	vmul.u32 $0x408, v15;
	v16 =	vshll.u32 v15, $0x3;
	[tilespmem:v22+s29+$0x0] =	vst.idx.add.f32.msk $0xffff, v20  }
0x127: {  	s2 =	sadd.s32 $0x4, s24;
	v20 =	vmul.u32 $0x408, v14;
	v18 =	vshll.u32 v14, $0x3;
	v22 =	vor.u32 v10, v16;
	[tilespmem:v24+s29+$0x0] =	vst.idx.add.f32.msk $0xffff, v19  }
0x128: {  	s10 =	sadd.s32 $0x3, s24;
	v24 =	vadd.s32 s2, v0;
	v25 =	vor.u32 v10, v18;
	v31 =	vadd.s32 v9, v17;
	v16 =	vld.idx.msk [tilespmem:v37+s22+$0x0], $0xffff  }
.Ltmp6:
0x129: {  	v17 =	vadd.s32 s10, v0;
	v18 =	vand.u32 $0x3F, v24;
	v26 =	vadd.s32 v9, v20;
	v19 =	vld.idx.msk [tilespmem:v38+s20+$0x0], $0xffff;
	(pc) =	sbr.rel @p0 .LBB2_16-.Ltmp6, $4  }
0x12a: {  	v17 =	vand.u32 $0x3F, v17;
	v24 =	vmul.u32 $0x408, v18;
	v27 =	vshll.u32 v18, $0x3;
	v20 =	vld.idx.msk [tilespmem:v21+s22+$0x0], $0xffff  }
0x12b: {  	s2 =	sadd.s32 $0x2, s24;
	v30 =	vmul.u32 $0x408, v17;
	v28 =	vor.u32 v10, v27;
	v21 =	vld.idx.msk [tilespmem:v23+s20+$0x0], $0xffff  }
0x12c: {  	v32 =	vshll.u32 v17, $0x3;
	v23 =	vadd.s32 s2, v0;
	v29 =	vadd.s32 v9, v24;
	v22 =	vld.idx.msk [tilespmem:v22+s22+$0x0], $0xffff  }
0x12d: {  	s10 =	sadd.s32 $0x1, s24;
	s24 =	sadd.s32 $0x8, s24;
	v27 =	vadd.s32 v9, v30;
	v30 =	vor.u32 v10, v32;
	v23 =	vand.u32 $0x3F, v23;
	v24 =	vld.idx.msk [tilespmem:v31+s20+$0x0], $0xffff  }
0x12e: {  	_ =	sdelay $0x3  }
0x12f: {  	v31 =	vadd.s32 s10, v0;
	v25 =	vld.idx.msk [tilespmem:v25+s22+$0x0], $0xffff  }
0x130: {  	v32 =	vmul.u32 $0x408, v23;
	v33 =	vshll.u32 v23, $0x3;
	v26 =	vld.idx.msk [tilespmem:v26+s20+$0x0], $0xffff;
	v12 =	vor.u32 v8, v12  }
0x131: {  	v28 =	vld.idx.msk [tilespmem:v28+s22+$0x0], $0xffff;
	v31 =	vand.u32 $0x3F, v31;
	v33 =	vor.u32 v10, v33  }
0x132: {  	v29 =	vld.idx.msk [tilespmem:v29+s20+$0x0], $0xffff;
	v34 =	vmul.u32 $0x408, v31;
	v35 =	vshll.u32 v31, $0x3;
	v32 =	vadd.s32 v9, v32  }
0x133: {  	v30 =	vld.idx.msk [tilespmem:v30+s22+$0x0], $0xffff;
	v57 =	vadd.f32 v20, v21;
	v53 =	vor.u32 v10, v35  }
0x134: {  	v11 =	vand.u32 $0x38, v11;
	v55 =	vld.idx.msk [tilespmem:v27+s20+$0x0], $0xffff;
	v54 =	vadd.s32 v9, v34  }
0x135: {  	v11 =	vor.u32 v11, v13;
	[tilespmem:v12+s29+$0x0] =	vst.idx.add.f32.msk $0xffff, v57  }
0x136: {  	v15 =	vor.u32 v8, v15;
	v56 =	vld.idx.msk [tilespmem:v33+s22+$0x0], $0xffff  }
0x137: {  	v14 =	vor.u32 v8, v14;
	v32 =	vld.idx.msk [tilespmem:v32+s20+$0x0], $0xffff  }
0x138: {  	v16 =	vadd.f32 v16, v19;
	v18 =	vor.u32 v8, v18;
	v10 =	vld.idx.msk [tilespmem:v53+s22+$0x0], $0xffff  }
0x139: {  	v58 =	vor.u32 v8, v17;
	v59 =	vadd.f32 v22, v24;
	v9 =	vld.idx.msk [tilespmem:v54+s20+$0x0], $0xffff  }
0x13a: {  	v60 =	vor.u32 v8, v23;
	s21 =	sadd.s32 $0x1, s21;
	v61 =	vadd.f32 v25, v26;
	[tilespmem:v11+s29+$0x0] =	vst.idx.add.f32.msk $0xffff, v16  }
0x13b: {  	p0 =	sne.s32 s21, $0x8;
	v8 =	vor.u32 v8, v31;
	v62 =	vadd.f32 v28, v29;
	[tilespmem:v15+s29+$0x0] =	vst.idx.add.f32.msk $0xffff, v59  }
.Ltmp7:
0x13c: {  	v13 =	vadd.f32 v30, v55;
	[tilespmem:v14+s29+$0x0] =	vst.idx.add.f32.msk $0xffff, v61;
	(pc) =	sbr.rel @p0 .LBB2_15-.Ltmp7, $4  }
0x13d: {  	[tilespmem:v18+s29+$0x0] =	vst.idx.add.f32.msk $0xffff, v62;
	v63 =	vadd.f32 v56, v32  }
0x13e: {  	[tilespmem:v58+s29+$0x0] =	vst.idx.add.f32.msk $0xffff, v13;
	v9 =	vadd.f32 v10, v9  }
0x13f: {  	[tilespmem:v60+s29+$0x0] =	vst.idx.add.f32.msk $0xffff, v63  }
0x140: {  	[tilespmem:v8+s29+$0x0] =	vst.idx.add.f32.msk $0xffff, v9  }
0x141: {  	s2 =	sadd.s32 s19, s16;
	s28 =	simm.s32 $0x0  }
0x142: {  	[hbm4b:s2+s28] =	stream.linear.scatter [tilespmem:s23], [sflag:$0x9], $0x2000, $0x38;
	[tilespmem:$0x1AE00] =	vst v63  }
0x143: {  	_ =	swait.ge [sflag:s7], $0x2000  }
0x144: {  	[sflag:s7] =	ssyncset.done $0x0  }
0x145: {  	s21 =	simm.s32 $0x0;
	[sflag:s7] =	ssyncadd.s32 $0xFFFFE000  }
.LBB2_19:
0x146: {  	_ =	sdelay $0x2  }
0x147: {  	s2 =	sshll.u32 s21, $0x4  }
0x148: {  	v8 =	vld.idx.msk [tilespmem:v7+s2+$0x200 ss:$0x1], $0xffff;
	v10 =	vmov s2  }
0x149: {  	v11 =	vshll.u32 v10, $0x6  }
0x14a: {  	s10 =	simm.s32 $0x7;
	v13 =	vor.u32 v2, v11;
	v11 =	vadd.s32 s28, v0  }
0x14b: {  	v14 =	vadd.s32 s10, v0;
	v12 =	vand.u32 $0x3F, v11  }
0x14c: {  	v15 =	vmul.u32 $0x408, v12;
	v16 =	vshll.u32 v12, $0x3;
	v12 =	vand.u32 $0x3F, v14  }
0x14d: {  	v9 =	vshrl.u32 v8, $0x2;
	v10 =	vand.u32 $0x3, v8;
	v8 =	vadd.s32 $0x8000, v13  }
0x14e: {  	s24 =	simm.s32 $0x6;
	v14 =	vshll.u32 v12, $0x3;
	v17 =	vmul.u32 $0x408, v12;
	v16 =	vor.u32 v10, v16  }
0x14f: {  	s10 =	simm.s32 $0x5;
	v18 =	vadd.s32 v9, v15;
	v20 =	vor.u32 v10, v14;
	v14 =	vadd.s32 s24, v0  }
0x150: {  	v21 =	vadd.s32 v9, v17;
	v17 =	vadd.s32 s10, v0;
	v15 =	vand.u32 $0x3F, v14  }
0x151: {  	s10 =	simm.s32 $0x4;
	v14 =	vand.u32 $0x3F, v17;
	v17 =	vmul.u32 $0x408, v15;
	v19 =	vshll.u32 v15, $0x3  }
0x152: {  	s24 =	simm.s32 $0x3;
	v24 =	vadd.s32 s10, v0;
	v22 =	vmul.u32 $0x408, v14;
	v23 =	vor.u32 v10, v19  }
0x153: {  	v19 =	vshll.u32 v14, $0x3;
	v31 =	vadd.s32 v9, v17;
	v17 =	vadd.s32 s24, v0;
	v16 =	vld.idx.msk [tilespmem:v16+s22+$0x0], $0xffff  }
0x154: {  	v25 =	vor.u32 v10, v19;
	v19 =	vld.idx.msk [tilespmem:v18+s20+$0x0], $0xffff;
	v18 =	vand.u32 $0x3F, v24;
	v17 =	vand.u32 $0x3F, v17  }
0x155: {  	v20 =	vld.idx.msk [tilespmem:v20+s22+$0x0], $0xffff;
	v26 =	vadd.s32 v9, v22;
	v24 =	vmul.u32 $0x408, v18;
	v27 =	vshll.u32 v18, $0x3  }
0x156: {  	v13 =	vadd.s32 v6, v13;
	s24 =	simm.s32 $0x2;
	v30 =	vmul.u32 $0x408, v17;
	v21 =	vld.idx.msk [tilespmem:v21+s20+$0x0], $0xffff;
	v28 =	vor.u32 v10, v27  }
0x157: {  	v32 =	vshll.u32 v17, $0x3;
	v27 =	vadd.s32 s24, v0;
	v29 =	vadd.s32 v9, v24;
	v22 =	vld.idx.msk [tilespmem:v23+s22+$0x0], $0xffff  }
0x158: {  	s10 =	simm.s32 $0x1;
	s24 =	simm.s32 $0x8;
	v23 =	vand.u32 $0x3F, v27;
	v27 =	vadd.s32 v9, v30;
	v30 =	vor.u32 v10, v32;
	v24 =	vld.idx.msk [tilespmem:v31+s20+$0x0], $0xffff  }
.LBB2_20:
0x159: {  	p0 =	slt.u32 s24, $0x38;
	v31 =	vadd.s32 s10, v0;
	v32 =	vmul.u32 $0x408, v23;
	v33 =	vshll.u32 v23, $0x3;
	v25 =	vld.idx.msk [tilespmem:v25+s22+$0x0], $0xffff  }
0x15a: {  	v31 =	vand.u32 $0x3F, v31;
	v33 =	vor.u32 v10, v33;
	v26 =	vld.idx.msk [tilespmem:v26+s20+$0x0], $0xffff  }
0x15b: {  	v34 =	vmul.u32 $0x408, v31;
	v35 =	vshll.u32 v31, $0x3;
	v32 =	vadd.s32 v9, v32;
	v28 =	vld.idx.msk [tilespmem:v28+s22+$0x0], $0xffff  }
0x15c: {  	v35 =	vor.u32 v10, v35;
	v29 =	vld.idx.msk [tilespmem:v29+s20+$0x0], $0xffff  }
0x15d: {  	v36 =	vand.u32 $0x38, v11;
	v11 =	vadd.s32 s24, v0;
	v34 =	vadd.s32 v9, v34;
	v30 =	vld.idx.msk [tilespmem:v30+s22+$0x0], $0xffff  }
0x15e: {  	v37 =	vand.u32 $0x3F, v11;
	v36 =	vor.u32 v36, v13;
	v27 =	vld.idx.msk [tilespmem:v27+s20+$0x0], $0xffff  }
0x15f: {  	v39 =	vor.u32 v8, v12;
	v38 =	vmul.u32 $0x408, v37;
	v37 =	vshll.u32 v37, $0x3;
	v33 =	vld.idx.msk [tilespmem:v33+s22+$0x0], $0xffff  }
0x160: {  	v15 =	vor.u32 v8, v15;
	v37 =	vor.u32 v10, v37;
	v32 =	vld.idx.msk [tilespmem:v32+s20+$0x0], $0xffff  }
0x161: {  	s2 =	sadd.s32 $0x7, s24;
	v16 =	vadd.f32 v16, v19;
	v14 =	vor.u32 v8, v14;
	v38 =	vadd.s32 v9, v38;
	v19 =	vld.idx.msk [tilespmem:v35+s22+$0x0], $0xffff  }
0x162: {  	v18 =	vor.u32 v8, v18;
	v12 =	vadd.s32 s2, v0;
	v20 =	vadd.f32 v20, v21;
	v34 =	vld.idx.msk [tilespmem:v34+s20+$0x0], $0xffff  }
0x163: {  	v12 =	vand.u32 $0x3F, v12;
	[tilespmem:v36+s29+$0x0] =	vst.idx.add.f32.msk $0xffff, v16;
	v16 =	vor.u32 v8, v17;
	v17 =	vadd.f32 v22, v24  }
0x164: {  	v21 =	vshll.u32 v12, $0x3;
	v22 =	vor.u32 v8, v23;
	v23 =	vadd.f32 v25, v26;
	[tilespmem:v39+s29+$0x0] =	vst.idx.add.f32.msk $0xffff, v20  }
0x165: {  	v24 =	vor.u32 v8, v31;
	v25 =	vadd.f32 v28, v29;
	v20 =	vmul.u32 $0x408, v12;
	[tilespmem:v15+s29+$0x0] =	vst.idx.add.f32.msk $0xffff, v17  }
0x166: {  	s2 =	sadd.s32 $0x6, s24;
	v21 =	vor.u32 v10, v21;
	v17 =	vadd.f32 v30, v27;
	[tilespmem:v14+s29+$0x0] =	vst.idx.add.f32.msk $0xffff, v23  }
0x167: {  	s10 =	sadd.s32 $0x5, s24;
	v14 =	vadd.s32 s2, v0;
	v23 =	vadd.s32 v9, v20;
	v20 =	vadd.f32 v33, v32;
	[tilespmem:v18+s29+$0x0] =	vst.idx.add.f32.msk $0xffff, v25  }
0x168: {  	v18 =	vadd.s32 s10, v0;
	v15 =	vand.u32 $0x3F, v14;
	v19 =	vadd.f32 v19, v34;
	[tilespmem:v16+s29+$0x0] =	vst.idx.add.f32.msk $0xffff, v17  }
0x169: {  	v14 =	vand.u32 $0x3F, v18;
	v17 =	vmul.u32 $0x408, v15;
	v16 =	vshll.u32 v15, $0x3;
	[tilespmem:v22+s29+$0x0] =	vst.idx.add.f32.msk $0xffff, v20  }
0x16a: {  	s2 =	sadd.s32 $0x4, s24;
	v20 =	vmul.u32 $0x408, v14;
	v18 =	vshll.u32 v14, $0x3;
	v22 =	vor.u32 v10, v16;
	[tilespmem:v24+s29+$0x0] =	vst.idx.add.f32.msk $0xffff, v19  }
0x16b: {  	s10 =	sadd.s32 $0x3, s24;
	v24 =	vadd.s32 s2, v0;
	v25 =	vor.u32 v10, v18;
	v31 =	vadd.s32 v9, v17;
	v16 =	vld.idx.msk [tilespmem:v37+s22+$0x0], $0xffff  }
.Ltmp8:
0x16c: {  	v17 =	vadd.s32 s10, v0;
	v18 =	vand.u32 $0x3F, v24;
	v26 =	vadd.s32 v9, v20;
	v19 =	vld.idx.msk [tilespmem:v38+s20+$0x0], $0xffff;
	(pc) =	sbr.rel @p0 .LBB2_20-.Ltmp8, $4  }
0x16d: {  	v17 =	vand.u32 $0x3F, v17;
	v24 =	vmul.u32 $0x408, v18;
	v27 =	vshll.u32 v18, $0x3;
	v20 =	vld.idx.msk [tilespmem:v21+s22+$0x0], $0xffff  }
0x16e: {  	s2 =	sadd.s32 $0x2, s24;
	v30 =	vmul.u32 $0x408, v17;
	v28 =	vor.u32 v10, v27;
	v21 =	vld.idx.msk [tilespmem:v23+s20+$0x0], $0xffff  }
0x16f: {  	v32 =	vshll.u32 v17, $0x3;
	v23 =	vadd.s32 s2, v0;
	v29 =	vadd.s32 v9, v24;
	v22 =	vld.idx.msk [tilespmem:v22+s22+$0x0], $0xffff  }
0x170: {  	s10 =	sadd.s32 $0x1, s24;
	s24 =	sadd.s32 $0x8, s24;
	v27 =	vadd.s32 v9, v30;
	v30 =	vor.u32 v10, v32;
	v23 =	vand.u32 $0x3F, v23;
	v24 =	vld.idx.msk [tilespmem:v31+s20+$0x0], $0xffff  }
0x171: {  	_ =	sdelay $0x3  }
0x172: {  	v31 =	vadd.s32 s10, v0;
	v25 =	vld.idx.msk [tilespmem:v25+s22+$0x0], $0xffff  }
0x173: {  	v32 =	vmul.u32 $0x408, v23;
	v33 =	vshll.u32 v23, $0x3;
	v26 =	vld.idx.msk [tilespmem:v26+s20+$0x0], $0xffff;
	v12 =	vor.u32 v8, v12  }
0x174: {  	v28 =	vld.idx.msk [tilespmem:v28+s22+$0x0], $0xffff;
	v31 =	vand.u32 $0x3F, v31;
	v33 =	vor.u32 v10, v33  }
0x175: {  	v29 =	vld.idx.msk [tilespmem:v29+s20+$0x0], $0xffff;
	v34 =	vmul.u32 $0x408, v31;
	v35 =	vshll.u32 v31, $0x3;
	v32 =	vadd.s32 v9, v32  }
0x176: {  	v30 =	vld.idx.msk [tilespmem:v30+s22+$0x0], $0xffff;
	v57 =	vadd.f32 v20, v21;
	v53 =	vor.u32 v10, v35  }
0x177: {  	v11 =	vand.u32 $0x38, v11;
	v55 =	vld.idx.msk [tilespmem:v27+s20+$0x0], $0xffff;
	v54 =	vadd.s32 v9, v34  }
0x178: {  	v11 =	vor.u32 v11, v13;
	[tilespmem:v12+s29+$0x0] =	vst.idx.add.f32.msk $0xffff, v57  }
0x179: {  	v15 =	vor.u32 v8, v15;
	v56 =	vld.idx.msk [tilespmem:v33+s22+$0x0], $0xffff  }
0x17a: {  	v14 =	vor.u32 v8, v14;
	v32 =	vld.idx.msk [tilespmem:v32+s20+$0x0], $0xffff  }
0x17b: {  	v16 =	vadd.f32 v16, v19;
	v18 =	vor.u32 v8, v18;
	v10 =	vld.idx.msk [tilespmem:v53+s22+$0x0], $0xffff  }
0x17c: {  	v58 =	vor.u32 v8, v17;
	v59 =	vadd.f32 v22, v24;
	v9 =	vld.idx.msk [tilespmem:v54+s20+$0x0], $0xffff  }
0x17d: {  	v60 =	vor.u32 v8, v23;
	s21 =	sadd.s32 $0x1, s21;
	v61 =	vadd.f32 v25, v26;
	[tilespmem:v11+s29+$0x0] =	vst.idx.add.f32.msk $0xffff, v16  }
0x17e: {  	p0 =	sne.s32 s21, $0x8;
	v8 =	vor.u32 v8, v31;
	v62 =	vadd.f32 v28, v29;
	[tilespmem:v15+s29+$0x0] =	vst.idx.add.f32.msk $0xffff, v59  }
.Ltmp9:
0x17f: {  	v13 =	vadd.f32 v30, v55;
	[tilespmem:v14+s29+$0x0] =	vst.idx.add.f32.msk $0xffff, v61;
	(pc) =	sbr.rel @p0 .LBB2_19-.Ltmp9, $4  }
0x180: {  	[tilespmem:v18+s29+$0x0] =	vst.idx.add.f32.msk $0xffff, v62;
	v63 =	vadd.f32 v56, v32  }
0x181: {  	[tilespmem:v58+s29+$0x0] =	vst.idx.add.f32.msk $0xffff, v13;
	v9 =	vadd.f32 v10, v9  }
0x182: {  	[tilespmem:v60+s29+$0x0] =	vst.idx.add.f32.msk $0xffff, v63  }
0x183: {  	[tilespmem:v8+s29+$0x0] =	vst.idx.add.f32.msk $0xffff, v9  }
0x184: {  	s2 =	sadd.s32 s19, s17;
	p0 =	seq.s32 s11, $0x27  }
0x185: {  	[hbm4b:s2+s3] =	stream.linear.scatter [tilespmem:s26], [sflag:$0xA], $0x2000, $0x38;
	[tilespmem:$0x1AE00] =	vst v63  }
0x186: {  	s2 =	simm.s32 @!p0 $0xB  }
0x187: {  	_ =	swait.ge @!p0 [sflag:s2], $0x280  }
0x188: {  	p1 =	sgt.u32 @!p0 s11, $0x25;
	[sflag:s2] =	ssyncset.done @!p0 $0x0  }
0x189: {  	p1 =	por p1, p0;
	[sflag:s2] =	ssyncadd.s32 @!p0 $0xFFFFFD80  }
0x18a: {  	s10 =	sadd.s32 @!p1 s13, s18;
	_ =	swait.ge @!p0 [sflag:s2], $0x280  }
0x18b: {  	s13 =	smul.u32 @!p1 $0x280, s12;
	s10 =	sshrl.u32 @!p1 s10, $0x3;
	[sflag:s2] =	ssyncset.done @!p0 $0x0  }
0x18c: {  	s19 =	simm.s32 @!p1 $0x0;
	[sflag:s2] =	ssyncadd.s32 @!p0 $0xFFFFFD80;
	s2 =	sadd.s32 @!p1 s8, s10  }
0x18d: {  	[tilespmem:s13], [sflag:$0xB] =	stream.linear.gather @!p1 [hbm4b:s2+s19], $0x280, $0x38;
	[tilespmem:$0x1AE00] =	vst v63  }
0x18e: {  	s10 =	sadd.s32 @!p1 s9, s10;
	s2 =	sadd.s32 @!p1 $0x500, s13  }
0x18f: {  	[tilespmem:s2], [sflag:$0xB] =	stream.linear.gather @!p1 [hbm4b:s10+s19], $0x280, $0x38;
	[tilespmem:$0x1AE00] =	vst v63  }
0x190: {  	s2 =	simm.s32 @!p0 $0x6;
	s10 =	sxor.u32 @!p0 $0x1, s12  }
0x191: {  	_ =	swait.ge @!p0 [sflag:s2], $0x2000;
	s10 =	smul.u32 @!p0 $0xA00, s10  }
0x192: {  	s12 =	simm.s32 @!p0 $0xA00;
	[sflag:s2] =	ssyncset.done @!p0 $0x0  }
0x193: {  	[sflag:s2] =	ssyncadd.s32 @!p0 $0xFFFFE000;
	s2 =	sshrl.u32 @!p0 s10, $0x2;
	s10 =	simm.s32 @!p0 $0x80  }
0x194: {  	[tilespmem:s12], [sflag:$0x1] =	stream.indirect.gather @!p0 [hbm4b:s4+s10], $0x40, s2, s10, $0xb8;
	[tilespmem:$0x1AE00] =	vst v63  }
0x195: {  	s12 =	simm.s32 @!p0 $0x7  }
0x196: {  	_ =	swait.ge @!p0 [sflag:s12], $0x2000  }
0x197: {  	[sflag:s12] =	ssyncset.done @!p0 $0x0  }
0x198: {  	s13 =	simm.s32 @!p0 $0x2A00;
	[sflag:s12] =	ssyncadd.s32 @!p0 $0xFFFFE000;
	s12 =	sadd.s32 @!p0 $0x80, s2  }
0x199: {  	[tilespmem:s13], [sflag:$0x2] =	stream.indirect.gather @!p0 [hbm4b:s4+s10], $0x40, s12, s10, $0xb8;
	[tilespmem:$0x1AE00] =	vst v63  }
0x19a: {  	s12 =	simm.s32 @!p0 $0x8  }
0x19b: {  	_ =	swait.ge @!p0 [sflag:s12], $0x2000  }
0x19c: {  	[sflag:s12] =	ssyncset.done @!p0 $0x0  }
0x19d: {  	s13 =	simm.s32 @!p0 $0x4A00;
	[sflag:s12] =	ssyncadd.s32 @!p0 $0xFFFFE000;
	s12 =	sadd.s32 @!p0 $0x100, s2  }
0x19e: {  	[tilespmem:s13], [sflag:$0x3] =	stream.indirect.gather @!p0 [hbm4b:s4+s10], $0x40, s12, s10, $0xb8;
	[tilespmem:$0x1AE00] =	vst v63  }
0x19f: {  	s12 =	simm.s32 @!p0 $0x9  }
0x1a0: {  	_ =	swait.ge @!p0 [sflag:s12], $0x2000  }
0x1a1: {  	[sflag:s12] =	ssyncset.done @!p0 $0x0  }
0x1a2: {  	s13 =	simm.s32 @!p0 $0x6A00;
	[sflag:s12] =	ssyncadd.s32 @!p0 $0xFFFFE000;
	s12 =	sadd.s32 @!p0 $0x180, s2  }
0x1a3: {  	[tilespmem:s13], [sflag:$0x4] =	stream.indirect.gather @!p0 [hbm4b:s4+s10], $0x40, s12, s10, $0xb8;
	[tilespmem:$0x1AE00] =	vst v63  }
0x1a4: {  	s12 =	simm.s32 @!p0 $0xA  }
0x1a5: {  	s11 =	sadd.s32 @!p0 $0x1, s11;
	_ =	swait.ge @!p0 [sflag:s12], $0x2000  }
0x1a6: {  	p1 =	sne.s32 @!p0 s11, $0x28;
	[sflag:s12] =	ssyncset.done @!p0 $0x0  }
0x1a7: {  	s2 =	sadd.s32 @!p0 $0x200, s2;
	[sflag:s12] =	ssyncadd.s32 @!p0 $0xFFFFE000;
	s12 =	simm.s32 @!p0 $0x8A00  }
0x1a8: {  	[tilespmem:s12], [sflag:$0x5] =	stream.indirect.gather @!p0 [hbm4b:s4+s10], $0x40, s2, s10, $0xb8;
	[tilespmem:$0x1AE00] =	vst v63  }
0x1a9: {  	p0 =	por p0, !p1  }
.Ltmp10:
0x1aa: {  	_ = 	snop;
	(pc) =	sbr.rel @!p0 .LBB2_2-.Ltmp10, $1  }
0x1ab: {  	_ =	sdelay $0x3  }
0x1ac: {  	s2 =	simm.s32 $0x6  }
0x1ad: {  	_ =	swait.ge [sflag:s2], $0x2000  }
0x1ae: {  	[sflag:s2] =	ssyncset.done $0x0  }
0x1af: {  	s19 =	simm.s32 $0x7;
	[sflag:s2] =	ssyncadd.s32 $0xFFFFE000  }
0x1b0: {  	_ =	swait.ge [sflag:s19], $0x2000  }
0x1b1: {  	[sflag:s19] =	ssyncset.done $0x0  }
0x1b2: {  	s21 =	simm.s32 $0x8;
	[sflag:s19] =	ssyncadd.s32 $0xFFFFE000  }
0x1b3: {  	_ =	swait.ge [sflag:s21], $0x2000  }
0x1b4: {  	[sflag:s21] =	ssyncset.done $0x0  }
0x1b5: {  	s24 =	simm.s32 $0x9;
	[sflag:s21] =	ssyncadd.s32 $0xFFFFE000  }
0x1b6: {  	_ =	swait.ge [sflag:s24], $0x2000  }
0x1b7: {  	[sflag:s24] =	ssyncset.done $0x0  }
0x1b8: {  	s10 =	simm.s32 $0xA;
	[sflag:s24] =	ssyncadd.s32 $0xFFFFE000  }
0x1b9: {  	_ =	swait.ge [sflag:s10], $0x2000  }
0x1ba: {  	s11 =	rddreg [dreg:$0xa]  }
0x1bb: {  	s28 =	rddreg [dreg:$0x9];
	s11 =	sadd.s32 $0x1, s11  }
0x1bc: {  	p0 =	sne.s32 s11, s28  }
.Ltmp11:
0x1bd: {  	_ = 	snop;
	(pc) =	sbr.rel @p0 .LBB2_1-.Ltmp11, $3  }
0x1be: {  	_ =	sdelay $0x1  }
0x1bf: {  	[sflag:s10] =	ssyncset.done $0x0  }
0x1c0: {  	[sflag:s10] =	ssyncadd.s32 $0xFFFFE000  }
0x1c1: {  	_ =	sfence.sel $0x180000  }
0x1c2: {  	[bflag:$0x0] =	sbarrier.arrive $0xFFFF  }
0x1c3: {  	_ =	strace $0x90000047  }
0x1c4: {  	s0 =	stileid.u32;
	[bflag:$0x2] =	sbarrier.arrive $0xFFFF  }
0x1c5: {  	p0 =	sne.s32 s0, $0x0;
	s0 =	rddreg [dreg:$0x2]  }
0x1c6: {  	s0 =	sadd.s32 @!p0 $0x100000, s0  }
0x1c7: {  	[sflag:s0] =	ssyncadd.tile.s32 @!p0 $0x1;
	_ =	shalt  }
.Lfunc_end2:
_tile_overlayer_lowered:
.L_overlay_start_2:
0x1c8: {  	(tag) =	ssettag $0x2  }
0x1c9: {  	s0 =	rddreg [dreg:$0x0];
	s2 =	stileid.u32  }
0x1ca: {  	s1 =	rddreg [dreg:$0x1];
	p0 =	sne.s32 s2, $0x0  }
0x1cb: {  	s3 =	rddreg [dreg:$0x2];
	[bflag:$0x3] =	sbarrier.arrive $0xFFFF;
	s2 =	simm.s32 @!p0 $0x1C0C  }
0x1cc: {  	[timem:s3], [sflag:s2] =	dma.local @!p0 [hbm:s0], s1  }
0x1cd: {  	s0 =	simm.s32 @!p0 $0xC  }
0x1ce: {  	_ =	swait.ge @!p0 [sflag:s0], s1  }
0x1cf: {  	s1 =	ssub.s32 @!p0 $0x0, s1;
	[sflag:s0] =	ssyncset.done @!p0 $0x0  }
0x1d0: {  	[sflag:s0] =	ssyncadd.s32 @!p0 s1  }
0x1d1: {  	[bflag:$0x3] =	sbarrier.arrive $0xFFFF  }
0x1d2: {  	_ =	shalt  }

// kernel: sparse-core-data-format-call.cloned.1.call-start
scs
called_computation_lowered:
.L_overlay_start_0:
0x0: {  	s2 =	sld [smem:$0x3FD9]  }
0x1: {  	s3 =	sld [smem:$0x3FFE];
	_ =	sdelay $0x1  }
0x2: {  	s1 =	srdreg.scid  }
0x3: {  	s0 =	sand.u32 $0x1, s1  }
0x4: {  	s18 =	sshll.u32 s0, $0xA;
	s2 =	sadd.s32 s3, s2  }
0x5: {  	s2 =	sadd.s32 s2, s18  }
0x6: {  	[smem:$0x3FC2] =	sst s2  }
0x7: {  	_ = 	snop  }
0x8: {  	s2 =	sld [smem:$0x3FD0];
	(tm) =	ssettm $0x1  }
0x9: {  	s19 =	sld [smem:$0x3FFB];
	_ =	sdelay $0x3  }
0xa: {  	_ =	strace s19  }
0xb: {  	s3 =	sld [smem:$0x3FFC];
	_ =	sdelay $0x3  }
0xc: {  	_ =	strace s3  }
0xd: {  	s3 =	sld [smem:$0x3FFD];
	_ =	sdelay $0x3  }
0xe: {  	_ =	strace s3  }
0xf: {  	_ =	strace $0x8FFFFFFF  }
0x10: {  	s20 =	sld [smem:$0x3FDB];
	_ =	sdelay $0x1  }
0x11: {  	s4 =	simm.s32 $_scs_section_size  }
0x12: {  	s5 =	simm.s32 $_size__tile_overlayer_lowered;
	s6 =	simm.s32 $_tile_overlayer_lowered  }
0x13: {  	s23 =	simm.s32 $0x1BFF;
	s22 =	sshll.u32 s6, $0x1;
	s3 =	sadd.s32 s4, s20  }
0x14: {  	s7 =	simm.s32 $0x0;
	s21 =	sshll.u32 s5, $0x1;
	s5 =	sadd.s32 s22, s3  }
0x15: {  	[timem:s7], [sflag:s23] =	dma.local [hbm:s5], s21  }
0x16: {  	_ =	swait.ge [sflag:s23], s21  }
0x17: {  	s4 =	ssub.s32 $0x0, s21;
	[sflag:s23] =	ssyncset.done $0x0  }
0x18: {  	[sflag:s23] =	ssyncadd.s32 s4;
	_ =	sdelay $0x1  }
0x19: {  	s24 =	simm.s32 $0x1B8B  }
0x1a: {  	_ =	swait.ge [sflag:s24], $0x1  }
0x1b: {  	[sflag:s24] =	ssyncset.done $0x0  }
0x1c: {  	s26 =	simm.s32 $0x1B8E;
	s25 =	sld [smem:$0x3FFE];
	[sflag:s24] =	ssyncadd.s32 $0xFFFFFFFF  }
0x1d: {  	s27 =	simm.s32 $execute0_lowered;
	[smem:$0x3FD2] =	sst s26  }
0x1e: {  	s5 =	sshll.u32 s27, $0x1;
	_ =	strace $0x80000049;
	[dreg:$0x1] =	wrdreg $0xFFFFFFFF  }
0x1f: {  	s28 =	simm.s32 $_size_execute0_lowered;
	s3 =	sadd.s32 s3, s5;
	[dreg:$0x0] =	wrdreg $0x0  }
0x20: {  	s5 =	sshll.u32 s28, $0x1;
	[dreg:$0x2] =	wrdreg s3  }
0x21: {  	[dreg:$0x3] =	wrdreg s5  }
0x22: {  	[dreg:$0x4] =	wrdreg $0xC0  }
0x23: {  	_ =	task [dreg:s7], $0x5FFFF  }
0x24: {  	[dreg:$0x1] =	wrdreg $0xFFFFFFFF  }
0x25: {  	[dreg:$0x0] =	wrdreg $0x60  }
0x26: {  	[dreg:$0x2] =	wrdreg s25  }
0x27: {  	[dreg:$0x3] =	wrdreg s2  }
0x28: {  	[dreg:$0x4] =	wrdreg $0x9  }
0x29: {  	_ =	task.clear_ibuf [dreg:s7], $0x5FFFF;
	_ =	strace $0x90000049  }
0x2a: {  	s29 =	simm.s32 $0x9;
	_ =	strace $0x8000004B  }
0x2b: {  	_ =	swait.ge [sflag:s29], $0x1  }
0x2c: {  	[sflag:s29] =	ssyncadd.s32 $0xFFFFFFFF  }
0x2d: {  	_ =	strace $0x9000004B  }
0x2e: {  	_ =	sfence  }
0x2f: {  	s30 =	sld [smem:$0x0];
	_ =	sdelay $0x2  }
0x30: {  	s31 =	sshll.u32 s1, $0xD;
	s1 =	sshrl.u32 s1, $0x2  }
0x31: {  	s3 =	sand.u32 $0x4000, s31;
	s1 =	sadd.s32 s1, s30  }
0x32: {  	s0 =	sor.u32 s3, s0;
	s1 =	sshll.u32 s1, $0x11  }
0x33: {  	s0 =	sor.u32 s1, s0  }
0x34: {  	s0 =	sadd.s32 $0x8F2B, s0  }
0x35: {  	[sflag:s0] =	ssyncadd.remote.s32 $0x1  }
0x36: {  	_ =	sfence.sel $0xFFFF  }
0x37: {  	[dreg:$0x0] =	wrdreg $0xFFFFFFFF;
	(pc) =	sbr.abs _section_cstart, $3  }
0x38: {  	[dreg:$0x1] =	wrdreg $0xFFFFFFFF  }
0x39: {  	_ =	task.clear_ibuf [dreg:s7], $0x2FFFF;
	_ =	strace $0x9FFFFFFF  }
0x3a: {  	(tm) =	ssettm $0x7FFFFFFF  }
0x3b: {  	_ =	shalt  }
tec
execute0_lowered:
.L_overlay_start_1:
0x0: {  	(tag) =	ssettag $0x1  }
0x1: {  	s0 =	srdreg.scid  }
0x2: {  	s1 =	sshll.u32 s0, $0x4  }
0x3: {  	s0 =	stileid.u32;
	s1 =	sand.u32 $0x10, s1  }
0x4: {  	s1 =	sor.u32 s0, s1  }
0x5: {  	s6 =	rddreg [dreg:$0x0];
	s4 =	simm.s32 $0x1;
	s2 =	sshll.u32 s1, $0x7  }
0x6: {  	s7 =	simm.s32 $0x2;
	s12 =	simm.s32 $0x0;
	s1 =	ssub.s32 $0x1000, s2  }
0x7: {  	s8 =	simm.s32 $0x8000;
	s13 =	simm.s32 $0x0;
	s3 =	sand.u32 $0xF80, s1  }
0x8: {  	s9 =	simm.s32 $0x0;
	s5 =	sshrl.u32 s1, $0xC;
	p0 =	sne.s32 s3, $0x0  }
.Ltmp0:
0x9: {  	s1 =	rddreg [dreg:$0x2];
	s4 =	simm.s32 @!p0 $0x0;
	(pc) =	sbr.rel .LBB1_1-.Ltmp0, $4  }
0xa: {  	s11 =	simm.s32 $0x0;
	s3 =	rddreg [dreg:$0x1];
	s5 =	sadd.s32 s4, s5  }
0xb: {  	_ =	strace $0x8000004A;
	s4 =	simm.s32 $0x1;
	s5 =	smul.u32 $0xC8, s5  }
0xc: {  	s6 =	sadd.s32 $0x1200, s6;
	s10 =	smov.u32 s2;
	[sflag:s4] =	ssyncpa.u1 $0x0  }
0xd: {  	p0 =	por $0x0, $0x0;
	[sflag:s7] =	ssyncpa.u1 $0x0;
	s7 =	sor.u32 $0x1, s5  }
.LBB1_4:
0xe: {  	s16 =	sshll.u32 s13, $0x3;
	s17 =	sand.u32 $0x78, s13  }
0xf: {  	s30 =	sand.u32 $0x7E00, s13;
	s12 =	sshll.u32 s12, $0xF;
	s16 =	sand.u32 $0xC00, s16  }
0x10: {  	[tilespmem:s15+$0x810 ss:$0x81] =	vst.msk $0xffff, v2;
	s31 =	sand.u32 $0x7, s13;
	s16 =	sor.u32 s17, s16;
	s17 =	sadd.s32 s3, s30  }
0x11: {  	[tilespmem:s15+$0x1020 ss:$0x81] =	vst.msk $0xffff, v0;
	s13 =	sshll.u32 s31, $0x12;
	s12 =	sadd.s32 s12, s17;
	s16 =	sshrl.u32 s16, $0x3  }
0x12: {  	[tilespmem:s15+$0x0 ss:$0x81] =	vst.msk $0xffff, v1;
	s13 =	sor.u32 $0x400, s13;
	s12 =	sadd.s32 s16, s12  }
0x13: {  	[hbm4b:s12+s13] =	stream.strided.scatter [tilespmem:s14], [sflag:$0x2], $0x2000, s8, s13, $0x20;
	[tilespmem:$0x8080] =	vst v63  }
.LBB1_5:
0x14: {  	s14 =	sadd.s32 $0x1, s9  }
0x15: {  	s12 =	sadd.s32 $0x1000, s10;
	s16 =	smov.u32 s10;
	p2 =	sgt.s32 s14, $0xC7  }
0x16: {  	s16 =	smov.u32 @p2 s12  }
0x17: {  	s14 =	simm.s32 @p2 $0x0;
	p2 =	sgt.s32 s16, $0xFFF  }
0x18: {  	s16 =	smov.u32 @p2 s2;
	p2 =	sne.s32 s11, s7  }
.Ltmp1:
0x19: {  	p1 =	slt.u32 s11, $0x2;
	(pc) =	sbr.rel @!p2 .LBB1_6-.Ltmp1, $4  }
0x1a: {  	s15 =	simm.s32 @!p1 $0x2  }
0x1b: {  	s13 =	smov.u32 s10;
	p0 =	por !p0, !p0;
	_ =	swait.ge @!p1 [sflag:s15], $0x2000  }
0x1c: {  	s12 =	smov.u32 s9;
	[sflag:s15] =	ssyncset.done @!p1 $0x0;
	s9 =	smov.u32 s14  }
0x1d: {  	s11 =	sadd.s32 $0x1, s11;
	[sflag:s15] =	ssyncadd.s32 @!p1 $0xFFFFE000;
	s10 =	smov.u32 s16  }
.LBB1_1:
0x1e: {  	p1 =	sge.u32 s11, s5  }
0x1f: {  	s14 =	sand.u32 @!p1 $0x1FFFFFF, s9  }
0x20: {  	s15 =	smulhi.u32 @!p1 $0x147AE15, s14;
	_ =	sdelay $0x1  }
0x21: {  	s15 =	smul.u32 @!p1 $0xC8, s15  }
0x22: {  	s16 =	sxor.u32 @!p1 $0xFFFFFFFF, s11;
	s17 =	smul.u32 @!p1 $0xC80, s10  }
0x23: {  	s31 =	sadd.s32 $0xFFFFFFFF, s11;
	s16 =	sshll.u32 @!p1 s16, $0xD;
	s14 =	ssub.s32 @!p1 s14, s15  }
0x24: {  	s15 =	sand.u32 @!p1 $0x2000, s16;
	s16 =	sadd.s32 @!p1 s6, s17;
	s14 =	sshll.u32 @!p1 s14, $0x4  }
0x25: {  	s17 =	simm.s32 @!p1 $0x6400;
	s14 =	sadd.s32 @!p1 s14, s16;
	s16 =	simm.s32 @!p1 $0x40  }
0x26: {  	[tilespmem:s15], [sflag:$0x1] =	stream.strided.gather @!p1 [hbm4b:s14+s16], $0x2000, s17, s16, $0x38;
	[tilespmem:$0x8080] =	vst v63  }
0x27: {  	p1 =	sge.u32 s31, s5  }
.Ltmp2:
0x28: {  	_ = 	snop;
	(pc) =	sbr.rel @p1 .LBB1_5-.Ltmp2, $1  }
0x29: {  	_ =	sdelay $0x3  }
0x2a: {  	s14 =	simm.s32 $0x1  }
0x2b: {  	_ =	swait.ge [sflag:s4], $0x2000;
	s14 =	simm.s32 @!p0 $0x0  }
0x2c: {  	[sflag:s4] =	ssyncset.done $0x0;
	s15 =	sshll.u32 s14, $0xD  }
0x2d: {  	[sflag:s4] =	ssyncadd.s32 $0xFFFFE000;
	s18 =	sor.u32 $0x20, s15  }
0x2e: {  	s14 =	smul.u32 $0x8100, s14;
	v3 =	vld [tilespmem:s18+$0x10]  }
0x2f: {  	s30 =	sand.u32 $0x1, s11;
	v2 =	vld [tilespmem:s18+$0xFFFFFFF0]  }
0x30: {  	s15 =	smul.u32 $0x8100, s30;
	s14 =	sshrl.u32 s14, $0x2;
	v0 =	vld [tilespmem:s18+$0x0]  }
0x31: {  	v1 =	vld [tilespmem:s18+$0xFFFFFFE0];
	s16 =	sor.u32 $0x4000, s14  }
0x32: {  	s31 =	sshrl.u32 s15, $0x2;
	s15 =	sadd.s32 $0x0, s16  }
0x33: {  	s17 =	simm.s32 $0x4;
	s18 =	sadd.s32 $0x40, s18;
	s14 =	sor.u32 $0x4000, s31;
	[tilespmem:s15+$0x1830 ss:$0x81] =	vst.msk $0xffff, v3  }
.LBB1_3:
0x34: {  	v3 =	vld [tilespmem:s18+$0x10];
	p1 =	sne.s32 s17, $0x1FC;
	[tilespmem:s15+$0x810 ss:$0x81] =	vst.msk $0xffff, v2;
	s19 =	smov.u32 s17;
	s17 =	sadd.s32 $0x4, s17  }
.Ltmp3:
0x35: {  	v2 =	vld [tilespmem:s18+$0xFFFFFFF0];
	[tilespmem:s15+$0x1020 ss:$0x81] =	vst.msk $0xffff, v0;
	(pc) =	sbr.rel @p1 .LBB1_3-.Ltmp3, $4  }
0x36: {  	v0 =	vld [tilespmem:s18+$0x0];
	[tilespmem:s15+$0x0 ss:$0x81] =	vst.msk $0xffff, v1  }
0x37: {  	s15 =	sshra.s32 s19, $0x2;
	v1 =	vld [tilespmem:s18+$0xFFFFFFE0]  }
0x38: {  	s15 =	sadd.s32 s15, s16  }
0x39: {  	s18 =	sadd.s32 $0x40, s18;
	[tilespmem:s15+$0x1830 ss:$0x81] =	vst.msk $0xffff, v3  }
.Ltmp4:
0x3a: {  	_ = 	snop;
	(pc) =	sbr.rel .LBB1_4-.Ltmp4, $1  }
0x3b: {  	_ =	sdelay $0x3  }
.LBB1_6:
0x3c: {  	_ =	sfence.sel $0x180000  }
0x3d: {  	s2 =	simm.s32 $0x1;
	[bflag:$0x0] =	sbarrier.arrive $0xFFFF  }
0x3e: {  	s31 =	simm.s32 $0x2;
	[sflag:s2] =	ssyncpa.u1 $0x1  }
0x3f: {  	[sflag:s31] =	ssyncpa.u1 $0x1  }
0x40: {  	p0 =	sne.s32 s0, $0x0;
	_ =	strace $0x9000004A  }
0x41: {  	s0 =	sadd.s32 @!p0 $0x100000, s1;
	[bflag:$0x2] =	sbarrier.arrive $0xFFFF  }
0x42: {  	[sflag:s0] =	ssyncadd.tile.s32 @!p0 $0x1;
	_ =	shalt  }
.Lfunc_end1:
_tile_overlayer_lowered:
.L_overlay_start_2:
0x43: {  	(tag) =	ssettag $0x2  }
0x44: {  	s0 =	rddreg [dreg:$0x0];
	s2 =	stileid.u32  }
0x45: {  	s1 =	rddreg [dreg:$0x1];
	p0 =	sne.s32 s2, $0x0  }
0x46: {  	s3 =	rddreg [dreg:$0x2];
	[bflag:$0x3] =	sbarrier.arrive $0xFFFF;
	s2 =	simm.s32 @!p0 $0x1C01  }
0x47: {  	[timem:s3], [sflag:s2] =	dma.local @!p0 [hbm:s0], s1  }
0x48: {  	s0 =	simm.s32 @!p0 $0x1  }
0x49: {  	_ =	swait.ge @!p0 [sflag:s0], s1  }
0x4a: {  	s1 =	ssub.s32 @!p0 $0x0, s1;
	[sflag:s0] =	ssyncset.done @!p0 $0x0  }
0x4b: {  	[sflag:s0] =	ssyncadd.s32 @!p0 s1  }
0x4c: {  	[bflag:$0x3] =	sbarrier.arrive $0xFFFF  }
0x4d: {  	_ =	shalt  }

</sc_bundles>
